<compile_context>
chip_gen: v7x
topology: tpu7x:2x2x1
jax: 0.10.2.dev20260603
libtpu: 0.0.44.dev20260713+nightly
codegen_flags: <defaults>
</compile_context>

<pallas_src>
import functools
import math

import jax
import jax.numpy as jnp
from jax import lax
from jax.experimental import pallas as pl
from jax.experimental.pallas import tpu as pltpu
from jax.experimental.pallas import tpu_sc as plsc

_B, _N, _NCLS = 4, 20000, 5
_ROWS = _B * _N
_MPPX = 0.8
_MPPY = 0.8
_THRESH = 0.5

_WPB = 8
_CHUNK = 2512
_GROUPS = _CHUNK // 16

_HALF_PI = math.pi / 2.0
_QTR_PI = math.pi / 4.0
_TAN_PI_8 = 0.4142135623730951


def _atan2(yv, xv):
    ax = jnp.abs(xv)
    ay = jnp.abs(yv)
    hi = jnp.maximum(ax, ay)
    lo = jnp.minimum(ax, ay)
    a = lo / jnp.maximum(hi, 1e-30)
    big = a > _TAN_PI_8
    t = jnp.where(big, (a - 1.0) / (a + 1.0), a)
    s = t * t
    p = (((8.05374449538e-2 * s - 1.38776856032e-1) * s + 1.99777106478e-1)
         * s - 3.33329491539e-1) * s * t + t
    r = jnp.where(big, p + _QTR_PI, p)
    r = jnp.where(ay > ax, _HALF_PI - r, r)
    r = jnp.where(xv < 0.0, math.pi - r, r)
    return jnp.where(yv < 0.0, -r, r)


def _decode_row(cls_c, ctr_c, box_c, dir_c, scr_c):
    r = [jnp.maximum(c, 0.0) for c in cls_c]
    ssum = (r[0] + r[1]) + (r[2] + r[3]) + (r[4] + 5.0)
    rinv = 1.0 / ssum
    amax14 = jnp.maximum(jnp.maximum(r[1], r[2]), jnp.maximum(r[3], r[4]))
    m14 = (amax14 + 1.0) * rinv
    maskb = m14 > _THRESH
    scr = jnp.maximum(m14, (r[0] + 1.0) * rinv)

    x = ctr_c[0] + box_c[0] * _MPPX
    y = ctr_c[1] + box_c[1] * _MPPY
    z = box_c[2]
    l = jnp.exp(jnp.maximum(jnp.minimum(box_c[3], 4.0), -4.0))
    w = jnp.exp(jnp.maximum(jnp.minimum(box_c[4], 4.0), -4.0))
    h = jnp.exp(jnp.maximum(jnp.minimum(box_c[5], 4.0), -4.0))

    best = scr_c[0]
    binf = jnp.zeros_like(best)
    sc0 = dir_c[0]
    sc1 = dir_c[1]
    for j in (1, 2, 3):
        gt = scr_c[j] > best
        best = jnp.where(gt, scr_c[j], best)
        binf = jnp.where(gt, float(j), binf)
        sc0 = jnp.where(gt, dir_c[2 * j], sc0)
        sc1 = jnp.where(gt, dir_c[2 * j + 1], sc1)
    ry = _atan2(sc0, sc1) + binf * _HALF_PI
    esum = (jnp.exp(scr_c[0] - best) + jnp.exp(scr_c[1] - best)
            + jnp.exp(scr_c[2] - best) + jnp.exp(scr_c[3] - best))
    dir_scr = 1.0 / esum

    mf = jnp.where(maskb, 1.0, 0.0)
    return [x * mf, y * mf, z * mf, l * mf, w * mf, h * mf,
            ry * mf, dir_scr * mf, scr * mf]


def _sc_decode_body(cls_h, ctr_h, box_h, dir_h, scr_h, out_hbm,
                    in_v, out_v, sem):
    wid = lax.axis_index("s") * 2 + lax.axis_index("c")
    b = wid // _WPB
    n0 = jnp.minimum((wid % _WPB) * _CHUNK, _N - _CHUNK)

    def src_off(kind, nch, ch):
        if kind == "cbn":
            return (ch * _B + b) * _N + n0
        return (b * nch + ch) * _N + n0

    plan = [
        (cls_h, "cbn", 5),
        (ctr_h, "bcn", 2),
        (box_h, "cbn", 6),
        (dir_h, "bcn", 8),
        (scr_h, "bcn", 4),
    ]
    copies = []
    slot = 0
    for ref, kind, nch in plan:
        for ch in range(nch):
            copies.append(pltpu.async_copy(
                ref.at[pl.ds(src_off(kind, nch, ch), _CHUNK)],
                in_v.at[pl.ds(slot * _CHUNK, _CHUNK)], sem))
            slot += 1
    for c in copies:
        c.wait()

    @plsc.parallel_loop(0, _GROUPS, unroll=4)
    def body(g):
        o = g * 16

        def ld(slot_base, count):
            return [in_v[pl.ds((slot_base + j) * _CHUNK + o, 16)]
                    for j in range(count)]

        cls_c = ld(0, 5)
        ctr_c = ld(5, 2)
        box_c = ld(7, 6)
        dir_c = ld(13, 8)
        scr_c = ld(21, 4)

        outs = _decode_row(cls_c, ctr_c, box_c, dir_c, scr_c)
        for ch, val in enumerate(outs):
            out_v[pl.ds(ch * _CHUNK + o, 16)] = val

    out_copies = [
        pltpu.async_copy(out_v.at[pl.ds(ch * _CHUNK, _CHUNK)],
                         out_hbm.at[pl.ds((ch * _B + b) * _N + n0, _CHUNK)],
                         sem)
        for ch in range(9)
    ]
    for c in out_copies:
        c.wait()


@functools.lru_cache(maxsize=1)
def _sc_decode():
    return pl.kernel(
        _sc_decode_body,
        mesh=plsc.VectorSubcoreMesh(core_axis_name="c", subcore_axis_name="s"),
        out_type=jax.ShapeDtypeStruct((9 * _ROWS,), jnp.float32),
        scratch_types=[
            pltpu.VMEM((_CHUNK * 25,), jnp.float32),
            pltpu.VMEM((_CHUNK * 9,), jnp.float32),
            pltpu.SemaphoreType.DMA,
        ],
    )


def kernel(cls, ctr, reg_box, reg_dir, reg_scr):
    out = _sc_decode()(
        cls.transpose(2, 0, 1).reshape(-1),
        ctr.transpose(0, 2, 1).reshape(-1),
        reg_box.transpose(2, 0, 1).reshape(-1),
        reg_dir.transpose(0, 2, 1).reshape(-1),
        reg_scr.transpose(0, 2, 1).reshape(-1),
    )
    return out.reshape(9, _ROWS).T

# --- scband reference (transcript-rebuilt; emitter-appended) ---
"""Pipeline reference for scband-box-center-assigner-87454124081817 (READ-ONLY COPY).

The authoritative reference and input builder live on the scoring server;
editing this copy changes nothing except your own understanding.
"""

import jax, jax.numpy as jnp
import numpy as np

B, N, NCLS = 4, 20000, 5
VOXEL = (0.4, 0.4)
STRIDE = 2
MPP = (VOXEL[0] * STRIDE, VOXEL[1] * STRIDE)
LIDAR_RANGE = (-140.8, -40.0)
THRESH = 0.5


def setup_inputs(seed: int = 0):
    key = jax.random.key(seed)
    k1, k2, k3, k4, k5 = jax.random.split(key, 5)
    return {
        "cls": jax.random.normal(k1, (B, N, NCLS), dtype=jnp.float32),
        "ctr": jax.random.uniform(k2, (B, N, 2), dtype=jnp.float32),
        "reg_box": jax.random.normal(k3, (B, N, 6), dtype=jnp.float32),
        "reg_dir": jax.random.normal(k4, (B, N, 8), dtype=jnp.float32),
        "reg_scr": jax.random.normal(k5, (B, N, 4), dtype=jnp.float32),
    }


def _pred_to_conf_unc(logits):
    # EDL (evidential) head: evidence = relu(logits), alpha = evidence + 1
    evidence = jax.nn.relu(logits)
    alpha = evidence + 1.0
    S = jnp.sum(alpha, axis=-1, keepdims=True)
    conf = alpha / S
    unc = logits.shape[-1] / S
    return conf, unc


def _pts_to_indices(pts):
    x = (pts[:, 1] - MPP[0] * 0.5 - LIDAR_RANGE[0]) / MPP[0]
    y = (pts[:, 2] - MPP[1] * 0.5 - LIDAR_RANGE[1]) / MPP[1]
    return jnp.stack([pts[:, 0].astype(jnp.int32), x.astype(jnp.int32), y.astype(jnp.int32)], axis=1)


def _decode(centers, reg_box, reg_dir, reg_scr):
    # centers: (M, 3) = [batch_idx, x, y]
    dx = reg_box[:, 0] * MPP[0]
    dy = reg_box[:, 1] * MPP[1]
    x = centers[:, 1] + dx
    y = centers[:, 2] + dy
    z = reg_box[:, 2]
    lwh = jnp.exp(jnp.clip(reg_box[:, 3:6], -4.0, 4.0))
    sincos = reg_dir.reshape(-1, 4, 2)
    bin_idx = jnp.argmax(reg_scr, axis=-1)
    sc = jnp.take_along_axis(sincos, bin_idx[:, None, None], axis=1)[:, 0, :]
    ry = jnp.arctan2(sc[:, 0], sc[:, 1]) + bin_idx.astype(jnp.float32) * (np.pi / 2.0)
    dir_scr = jnp.take_along_axis(jax.nn.softmax(reg_scr, axis=-1), bin_idx[:, None], axis=1)[:, 0]
    return jnp.stack([x, y, z, lwh[:, 0], lwh[:, 1], lwh[:, 2], ry, dir_scr], axis=1)


def reference(cls, ctr, reg_box, reg_dir, reg_scr):
    # get_predictions (single head, point-wise center_cls.ndim==3 path),
    # static-shape variant: the boolean center mask is applied multiplicatively
    # instead of gather-compacting, so output shape is fixed at (B*N, 9).
    conf, _ = _pred_to_conf_unc(cls)
    mask = (jnp.max(conf[..., 1:], axis=-1) > THRESH).reshape(-1)
    bidx = jnp.broadcast_to(jnp.arange(B, dtype=jnp.float32)[:, None, None], (B, N, 1))
    centers = jnp.concatenate([bidx, ctr], axis=-1).reshape(-1, 3)
    _ = _pts_to_indices(centers)  # center-map indices (int, not part of diff output)
    boxes = _decode(centers, reg_box.reshape(-1, 6), reg_dir.reshape(-1, 8), reg_scr.reshape(-1, 4))
    scr = jnp.max(conf, axis=-1).reshape(-1)
    m = mask.astype(boxes.dtype)
    out = jnp.concatenate([boxes * m[:, None], (scr * m)[:, None]], axis=1)
    return out

if __name__ == "__main__":
    import jax
    _d = setup_inputs()
    print(jax.jit(kernel)(*tuple(_d.values())))

</pallas_src>

<mosaic_0001>
#map = affine_map<(d0, d1) -> (0)>
module attributes {stable_mosaic.version = 14 : i64} {
  func.func @_sc_decode_body(%arg0: i32, %arg1: i32, %arg2: memref<400000xf32, #tpu.memory_space<hbm>>, %arg3: memref<160000xf32, #tpu.memory_space<hbm>>, %arg4: memref<480000xf32, #tpu.memory_space<hbm>>, %arg5: memref<640000xf32, #tpu.memory_space<hbm>>, %arg6: memref<320000xf32, #tpu.memory_space<hbm>>, %arg7: memref<720000xf32, #tpu.memory_space<hbm>>, %arg8: memref<62800xf32, #tpu.memory_space<vmem>>, %arg9: memref<22608xf32, #tpu.memory_space<vmem>>, %arg10: memref<!tpu.dma_semaphore, #tpu.memory_space<semaphore_mem>>) attributes {dimension_semantics = [#tpu.dimension_semantics<core_parallel>, #tpu.dimension_semantics<subcore_parallel>], iteration_bounds = array<i64: 2, 16>, scalar_prefetch = 0 : i64, scratch_operands = 3 : i64, tpu.core_type = #tpu.core_type<sc_vector_subcore>, window_params = [{transform_indices = #map}, {transform_indices = #map}, {transform_indices = #map}, {transform_indices = #map}, {transform_indices = #map}, {transform_indices = #map}]} {
    %mul3A = arith.constant 2 : i32
    %mul3A_0 = arith.muli %arg1, %mul3A : i32
    %add3A = arith.addi %mul3A_0, %arg0 : i32
    %jit3A = arith.constant 8 : i32
    %div3A = arith.divsi %add3A, %jit3A : i32
    %sign3A = arith.constant 0 : i32
    %sign3A_1 = arith.cmpi sgt, %add3A, %sign3A : i32
    %sign3A_2 = arith.extui %sign3A_1 : i1 to i32
    %sign3A_3 = arith.constant 0 : i32
    %sign3A_4 = arith.cmpi slt, %add3A, %sign3A_3 : i32
    %sign3A_5 = arith.extui %sign3A_4 : i1 to i32
    %sign3A_6 = arith.subi %sign3A_2, %sign3A_5 : i32
    %sign3A_7 = arith.constant 0 : i32
    %sign3A_8 = arith.cmpi sgt, %jit3A, %sign3A_7 : i32
    %sign3A_9 = arith.extui %sign3A_8 : i1 to i32
    %sign3A_10 = arith.constant 0 : i32
    %sign3A_11 = arith.cmpi slt, %jit3A, %sign3A_10 : i32
    %sign3A_12 = arith.extui %sign3A_11 : i1 to i32
    %sign3A_13 = arith.subi %sign3A_9, %sign3A_12 : i32
    %ne3A = arith.cmpi ne, %sign3A_6, %sign3A_13 : i32
    %rem3A = arith.remsi %add3A, %jit3A : i32
    %ne3A_14 = arith.constant 0 : i32
    %ne3A_15 = arith.cmpi ne, %rem3A, %ne3A_14 : i32
    %and3A = arith.andi %ne3A, %ne3A_15 : i1
    %sub3A = arith.constant 1 : i32
    %sub3A_16 = arith.subi %div3A, %sub3A : i32
    %select_n3A = arith.select %and3A, %sub3A_16, %div3A : i32
    %jit3A_17 = arith.constant 8 : i32
    %eq3A = arith.constant 0 : i32
    %eq3A_18 = arith.cmpi eq, %jit3A_17, %eq3A : i32
    %jit3A_19 = arith.constant 1 : i32
    %select_n3A_20 = arith.select %eq3A_18, %jit3A_19, %jit3A_17 : i32
    %rem3A_21 = arith.remsi %add3A, %select_n3A_20 : i32
    %ne3A_22 = arith.constant 0 : i32
    %ne3A_23 = arith.cmpi ne, %rem3A_21, %ne3A_22 : i32
    %lt3A = arith.constant 0 : i32
    %lt3A_24 = arith.cmpi slt, %rem3A_21, %lt3A : i32
    %lt3A_25 = arith.constant 0 : i32
    %lt3A_26 = arith.cmpi slt, %select_n3A_20, %lt3A_25 : i32
    %ne3A_27 = arith.xori %lt3A_24, %lt3A_26 : i1
    %and3A_28 = arith.andi %ne3A_27, %ne3A_23 : i1
    %add3A_29 = arith.addi %rem3A_21, %select_n3A_20 : i32
    %select_n3A_30 = arith.select %and3A_28, %add3A_29, %rem3A_21 : i32
    %mul3A_31 = arith.constant 2512 : i32
    %mul3A_32 = arith.muli %select_n3A_30, %mul3A_31 : i32
    %min3A = arith.constant 17488 : i32
    %min3A_33 = arith.minsi %mul3A_32, %min3A : i32
    %add3A_34 = arith.constant 0 : i32
    %add3A_35 = arith.addi %add3A_34, %select_n3A : i32
    %mul3A_36 = arith.constant 20000 : i32
    %mul3A_37 = arith.muli %add3A_35, %mul3A_36 : i32
    %add3A_38 = arith.addi %mul3A_37, %min3A_33 : i32
    %dma_start3A = arith.constant 0 : i32
    %dma_start3A_39 = tpu.memref_slice %arg8[%dma_start3A] : memref<62800xf32, #tpu.memory_space<vmem>> -> memref<2512xf32, #tpu.memory_space<vmem>>
    %dma_start3A_40 = tpu.memref_slice %arg2[%add3A_38] : memref<400000xf32, #tpu.memory_space<hbm>> -> memref<2512xf32, #tpu.memory_space<hbm>>
    %dma_start3A_41 = arith.constant 0 : i32
    %dma_start3A_42 = tpu.memref_slice %arg8[%dma_start3A_41] : memref<62800xf32, #tpu.memory_space<vmem>> -> memref<2512xf32, #tpu.memory_space<vmem>>
    %dma_start3A_43 = tpu.memref_slice %arg2[%add3A_38] : memref<400000xf32, #tpu.memory_space<hbm>> -> memref<2512xf32, #tpu.memory_space<hbm>>
    tpu.enqueue_dma source(%dma_start3A_43 : memref<2512xf32, #tpu.memory_space<hbm>>) target(%dma_start3A_42 : memref<2512xf32, #tpu.memory_space<vmem>>) target_semaphore(%arg10 : memref<!tpu.dma_semaphore, #tpu.memory_space<semaphore_mem>>)
    %add3A_44 = arith.constant 4 : i32
    %add3A_45 = arith.addi %add3A_44, %select_n3A : i32
    %mul3A_46 = arith.constant 20000 : i32
    %mul3A_47 = arith.muli %add3A_45, %mul3A_46 : i32
    %add3A_48 = arith.addi %mul3A_47, %min3A_33 : i32
    %dma_start3A_49 = arith.constant 2512 : i32
    %dma_start3A_50 = tpu.memref_slice %arg8[%dma_start3A_49] : memref<62800xf32, #tpu.memory_space<vmem>> -> memref<2512xf32, #tpu.memory_space<vmem>>
    %dma_start3A_51 = tpu.memref_slice %arg2[%add3A_48] : memref<400000xf32, #tpu.memory_space<hbm>> -> memref<2512xf32, #tpu.memory_space<hbm>>
    %dma_start3A_52 = arith.constant 2512 : i32
    %dma_start3A_53 = tpu.memref_slice %arg8[%dma_start3A_52] : memref<62800xf32, #tpu.memory_space<vmem>> -> memref<2512xf32, #tpu.memory_space<vmem>>
    %dma_start3A_54 = tpu.memref_slice %arg2[%add3A_48] : memref<400000xf32, #tpu.memory_space<hbm>> -> memref<2512xf32, #tpu.memory_space<hbm>>
    tpu.enqueue_dma source(%dma_start3A_54 : memref<2512xf32, #tpu.memory_space<hbm>>) target(%dma_start3A_53 : memref<2512xf32, #tpu.memory_space<vmem>>) target_semaphore(%arg10 : memref<!tpu.dma_semaphore, #tpu.memory_space<semaphore_mem>>)
    %add3A_55 = arith.constant 8 : i32
    %add3A_56 = arith.addi %add3A_55, %select_n3A : i32
    %mul3A_57 = arith.constant 20000 : i32
    %mul3A_58 = arith.muli %add3A_56, %mul3A_57 : i32
    %add3A_59 = arith.addi %mul3A_58, %min3A_33 : i32
    %dma_start3A_60 = arith.constant 5024 : i32
    %dma_start3A_61 = tpu.memref_slice %arg8[%dma_start3A_60] : memref<62800xf32, #tpu.memory_space<vmem>> -> memref<2512xf32, #tpu.memory_space<vmem>>
    %dma_start3A_62 = tpu.memref_slice %arg2[%add3A_59] : memref<400000xf32, #tpu.memory_space<hbm>> -> memref<2512xf32, #tpu.memory_space<hbm>>
    %dma_start3A_63 = arith.constant 5024 : i32
    %dma_start3A_64 = tpu.memref_slice %arg8[%dma_start3A_63] : memref<62800xf32, #tpu.memory_space<vmem>> -> memref<2512xf32, #tpu.memory_space<vmem>>
    %dma_start3A_65 = tpu.memref_slice %arg2[%add3A_59] : memref<400000xf32, #tpu.memory_space<hbm>> -> memref<2512xf32, #tpu.memory_space<hbm>>
    tpu.enqueue_dma source(%dma_start3A_65 : memref<2512xf32, #tpu.memory_space<hbm>>) target(%dma_start3A_64 : memref<2512xf32, #tpu.memory_space<vmem>>) target_semaphore(%arg10 : memref<!tpu.dma_semaphore, #tpu.memory_space<semaphore_mem>>)
    %add3A_66 = arith.constant 12 : i32
    %add3A_67 = arith.addi %add3A_66, %select_n3A : i32
    %mul3A_68 = arith.constant 20000 : i32
    %mul3A_69 = arith.muli %add3A_67, %mul3A_68 : i32
    %add3A_70 = arith.addi %mul3A_69, %min3A_33 : i32
    %dma_start3A_71 = arith.constant 7536 : i32
    %dma_start3A_72 = tpu.memref_slice %arg8[%dma_start3A_71] : memref<62800xf32, #tpu.memory_space<vmem>> -> memref<2512xf32, #tpu.memory_space<vmem>>
    %dma_start3A_73 = tpu.memref_slice %arg2[%add3A_70] : memref<400000xf32, #tpu.memory_space<hbm>> -> memref<2512xf32, #tpu.memory_space<hbm>>
    %dma_start3A_74 = arith.constant 7536 : i32
    %dma_start3A_75 = tpu.memref_slice %arg8[%dma_start3A_74] : memref<62800xf32, #tpu.memory_space<vmem>> -> memref<2512xf32, #tpu.memory_space<vmem>>
    %dma_start3A_76 = tpu.memref_slice %arg2[%add3A_70] : memref<400000xf32, #tpu.memory_space<hbm>> -> memref<2512xf32, #tpu.memory_space<hbm>>
    tpu.enqueue_dma source(%dma_start3A_76 : memref<2512xf32, #tpu.memory_space<hbm>>) target(%dma_start3A_75 : memref<2512xf32, #tpu.memory_space<vmem>>) target_semaphore(%arg10 : memref<!tpu.dma_semaphore, #tpu.memory_space<semaphore_mem>>)
    %add3A_77 = arith.constant 16 : i32
    %add3A_78 = arith.addi %add3A_77, %select_n3A : i32
    %mul3A_79 = arith.constant 20000 : i32
    %mul3A_80 = arith.muli %add3A_78, %mul3A_79 : i32
    %add3A_81 = arith.addi %mul3A_80, %min3A_33 : i32
    %dma_start3A_82 = arith.constant 10048 : i32
    %dma_start3A_83 = tpu.memref_slice %arg8[%dma_start3A_82] : memref<62800xf32, #tpu.memory_space<vmem>> -> memref<2512xf32, #tpu.memory_space<vmem>>
    %dma_start3A_84 = tpu.memref_slice %arg2[%add3A_81] : memref<400000xf32, #tpu.memory_space<hbm>> -> memref<2512xf32, #tpu.memory_space<hbm>>
    %dma_start3A_85 = arith.constant 10048 : i32
    %dma_start3A_86 = tpu.memref_slice %arg8[%dma_start3A_85] : memref<62800xf32, #tpu.memory_space<vmem>> -> memref<2512xf32, #tpu.memory_space<vmem>>
    %dma_start3A_87 = tpu.memref_slice %arg2[%add3A_81] : memref<400000xf32, #tpu.memory_space<hbm>> -> memref<2512xf32, #tpu.memory_space<hbm>>
    tpu.enqueue_dma source(%dma_start3A_87 : memref<2512xf32, #tpu.memory_space<hbm>>) target(%dma_start3A_86 : memref<2512xf32, #tpu.memory_space<vmem>>) target_semaphore(%arg10 : memref<!tpu.dma_semaphore, #tpu.memory_space<semaphore_mem>>)
    %mul3A_88 = arith.constant 2 : i32
    %mul3A_89 = arith.muli %select_n3A, %mul3A_88 : i32
    %add3A_90 = arith.constant 0 : i32
    %add3A_91 = arith.addi %mul3A_89, %add3A_90 : i32
    %mul3A_92 = arith.constant 20000 : i32
    %mul3A_93 = arith.muli %add3A_91, %mul3A_92 : i32
    %add3A_94 = arith.addi %mul3A_93, %min3A_33 : i32
    %dma_start3A_95 = arith.constant 12560 : i32
    %dma_start3A_96 = tpu.memref_slice %arg8[%dma_start3A_95] : memref<62800xf32, #tpu.memory_space<vmem>> -> memref<2512xf32, #tpu.memory_space<vmem>>
    %dma_start3A_97 = tpu.memref_slice %arg3[%add3A_94] : memref<160000xf32, #tpu.memory_space<hbm>> -> memref<2512xf32, #tpu.memory_space<hbm>>
    %dma_start3A_98 = arith.constant 12560 : i32
    %dma_start3A_99 = tpu.memref_slice %arg8[%dma_start3A_98] : memref<62800xf32, #tpu.memory_space<vmem>> -> memref<2512xf32, #tpu.memory_space<vmem>>
    %dma_start3A_100 = tpu.memref_slice %arg3[%add3A_94] : memref<160000xf32, #tpu.memory_space<hbm>> -> memref<2512xf32, #tpu.memory_space<hbm>>
    tpu.enqueue_dma source(%dma_start3A_100 : memref<2512xf32, #tpu.memory_space<hbm>>) target(%dma_start3A_99 : memref<2512xf32, #tpu.memory_space<vmem>>) target_semaphore(%arg10 : memref<!tpu.dma_semaphore, #tpu.memory_space<semaphore_mem>>)
    %mul3A_101 = arith.constant 2 : i32
    %mul3A_102 = arith.muli %select_n3A, %mul3A_101 : i32
    %add3A_103 = arith.constant 1 : i32
    %add3A_104 = arith.addi %mul3A_102, %add3A_103 : i32
    %mul3A_105 = arith.constant 20000 : i32
    %mul3A_106 = arith.muli %add3A_104, %mul3A_105 : i32
    %add3A_107 = arith.addi %mul3A_106, %min3A_33 : i32
    %dma_start3A_108 = arith.constant 15072 : i32
    %dma_start3A_109 = tpu.memref_slice %arg8[%dma_start3A_108] : memref<62800xf32, #tpu.memory_space<vmem>> -> memref<2512xf32, #tpu.memory_space<vmem>>
    %dma_start3A_110 = tpu.memref_slice %arg3[%add3A_107] : memref<160000xf32, #tpu.memory_space<hbm>> -> memref<2512xf32, #tpu.memory_space<hbm>>
    %dma_start3A_111 = arith.constant 15072 : i32
    %dma_start3A_112 = tpu.memref_slice %arg8[%dma_start3A_111] : memref<62800xf32, #tpu.memory_space<vmem>> -> memref<2512xf32, #tpu.memory_space<vmem>>
    %dma_start3A_113 = tpu.memref_slice %arg3[%add3A_107] : memref<160000xf32, #tpu.memory_space<hbm>> -> memref<2512xf32, #tpu.memory_space<hbm>>
    tpu.enqueue_dma source(%dma_start3A_113 : memref<2512xf32, #tpu.memory_space<hbm>>) target(%dma_start3A_112 : memref<2512xf32, #tpu.memory_space<vmem>>) target_semaphore(%arg10 : memref<!tpu.dma_semaphore, #tpu.memory_space<semaphore_mem>>)
    %add3A_114 = arith.constant 0 : i32
    %add3A_115 = arith.addi %add3A_114, %select_n3A : i32
    %mul3A_116 = arith.constant 20000 : i32
    %mul3A_117 = arith.muli %add3A_115, %mul3A_116 : i32
    %add3A_118 = arith.addi %mul3A_117, %min3A_33 : i32
    %dma_start3A_119 = arith.constant 17584 : i32
    %dma_start3A_120 = tpu.memref_slice %arg8[%dma_start3A_119] : memref<62800xf32, #tpu.memory_space<vmem>> -> memref<2512xf32, #tpu.memory_space<vmem>>
    %dma_start3A_121 = tpu.memref_slice %arg4[%add3A_118] : memref<480000xf32, #tpu.memory_space<hbm>> -> memref<2512xf32, #tpu.memory_space<hbm>>
    %dma_start3A_122 = arith.constant 17584 : i32
    %dma_start3A_123 = tpu.memref_slice %arg8[%dma_start3A_122] : memref<62800xf32, #tpu.memory_space<vmem>> -> memref<2512xf32, #tpu.memory_space<vmem>>
    %dma_start3A_124 = tpu.memref_slice %arg4[%add3A_118] : memref<480000xf32, #tpu.memory_space<hbm>> -> memref<2512xf32, #tpu.memory_space<hbm>>
    tpu.enqueue_dma source(%dma_start3A_124 : memref<2512xf32, #tpu.memory_space<hbm>>) target(%dma_start3A_123 : memref<2512xf32, #tpu.memory_space<vmem>>) target_semaphore(%arg10 : memref<!tpu.dma_semaphore, #tpu.memory_space<semaphore_mem>>)
    %add3A_125 = arith.constant 4 : i32
    %add3A_126 = arith.addi %add3A_125, %select_n3A : i32
    %mul3A_127 = arith.constant 20000 : i32
    %mul3A_128 = arith.muli %add3A_126, %mul3A_127 : i32
    %add3A_129 = arith.addi %mul3A_128, %min3A_33 : i32
    %dma_start3A_130 = arith.constant 20096 : i32
    %dma_start3A_131 = tpu.memref_slice %arg8[%dma_start3A_130] : memref<62800xf32, #tpu.memory_space<vmem>> -> memref<2512xf32, #tpu.memory_space<vmem>>
    %dma_start3A_132 = tpu.memref_slice %arg4[%add3A_129] : memref<480000xf32, #tpu.memory_space<hbm>> -> memref<2512xf32, #tpu.memory_space<hbm>>
    %dma_start3A_133 = arith.constant 20096 : i32
    %dma_start3A_134 = tpu.memref_slice %arg8[%dma_start3A_133] : memref<62800xf32, #tpu.memory_space<vmem>> -> memref<2512xf32, #tpu.memory_space<vmem>>
    %dma_start3A_135 = tpu.memref_slice %arg4[%add3A_129] : memref<480000xf32, #tpu.memory_space<hbm>> -> memref<2512xf32, #tpu.memory_space<hbm>>
    tpu.enqueue_dma source(%dma_start3A_135 : memref<2512xf32, #tpu.memory_space<hbm>>) target(%dma_start3A_134 : memref<2512xf32, #tpu.memory_space<vmem>>) target_semaphore(%arg10 : memref<!tpu.dma_semaphore, #tpu.memory_space<semaphore_mem>>)
    %add3A_136 = arith.constant 8 : i32
    %add3A_137 = arith.addi %add3A_136, %select_n3A : i32
    %mul3A_138 = arith.constant 20000 : i32
    %mul3A_139 = arith.muli %add3A_137, %mul3A_138 : i32
    %add3A_140 = arith.addi %mul3A_139, %min3A_33 : i32
    %dma_start3A_141 = arith.constant 22608 : i32
    %dma_start3A_142 = tpu.memref_slice %arg8[%dma_start3A_141] : memref<62800xf32, #tpu.memory_space<vmem>> -> memref<2512xf32, #tpu.memory_space<vmem>>
    %dma_start3A_143 = tpu.memref_slice %arg4[%add3A_140] : memref<480000xf32, #tpu.memory_space<hbm>> -> memref<2512xf32, #tpu.memory_space<hbm>>
    %dma_start3A_144 = arith.constant 22608 : i32
    %dma_start3A_145 = tpu.memref_slice %arg8[%dma_start3A_144] : memref<62800xf32, #tpu.memory_space<vmem>> -> memref<2512xf32, #tpu.memory_space<vmem>>
    %dma_start3A_146 = tpu.memref_slice %arg4[%add3A_140] : memref<480000xf32, #tpu.memory_space<hbm>> -> memref<2512xf32, #tpu.memory_space<hbm>>
    tpu.enqueue_dma source(%dma_start3A_146 : memref<2512xf32, #tpu.memory_space<hbm>>) target(%dma_start3A_145 : memref<2512xf32, #tpu.memory_space<vmem>>) target_semaphore(%arg10 : memref<!tpu.dma_semaphore, #tpu.memory_space<semaphore_mem>>)
    %add3A_147 = arith.constant 12 : i32
    %add3A_148 = arith.addi %add3A_147, %select_n3A : i32
    %mul3A_149 = arith.constant 20000 : i32
    %mul3A_150 = arith.muli %add3A_148, %mul3A_149 : i32
    %add3A_151 = arith.addi %mul3A_150, %min3A_33 : i32
    %dma_start3A_152 = arith.constant 25120 : i32
    %dma_start3A_153 = tpu.memref_slice %arg8[%dma_start3A_152] : memref<62800xf32, #tpu.memory_space<vmem>> -> memref<2512xf32, #tpu.memory_space<vmem>>
    %dma_start3A_154 = tpu.memref_slice %arg4[%add3A_151] : memref<480000xf32, #tpu.memory_space<hbm>> -> memref<2512xf32, #tpu.memory_space<hbm>>
    %dma_start3A_155 = arith.constant 25120 : i32
    %dma_start3A_156 = tpu.memref_slice %arg8[%dma_start3A_155] : memref<62800xf32, #tpu.memory_space<vmem>> -> memref<2512xf32, #tpu.memory_space<vmem>>
    %dma_start3A_157 = tpu.memref_slice %arg4[%add3A_151] : memref<480000xf32, #tpu.memory_space<hbm>> -> memref<2512xf32, #tpu.memory_space<hbm>>
    tpu.enqueue_dma source(%dma_start3A_157 : memref<2512xf32, #tpu.memory_space<hbm>>) target(%dma_start3A_156 : memref<2512xf32, #tpu.memory_space<vmem>>) target_semaphore(%arg10 : memref<!tpu.dma_semaphore, #tpu.memory_space<semaphore_mem>>)
    %add3A_158 = arith.constant 16 : i32
    %add3A_159 = arith.addi %add3A_158, %select_n3A : i32
    %mul3A_160 = arith.constant 20000 : i32
    %mul3A_161 = arith.muli %add3A_159, %mul3A_160 : i32
    %add3A_162 = arith.addi %mul3A_161, %min3A_33 : i32
    %dma_start3A_163 = arith.constant 27632 : i32
    %dma_start3A_164 = tpu.memref_slice %arg8[%dma_start3A_163] : memref<62800xf32, #tpu.memory_space<vmem>> -> memref<2512xf32, #tpu.memory_space<vmem>>
    %dma_start3A_165 = tpu.memref_slice %arg4[%add3A_162] : memref<480000xf32, #tpu.memory_space<hbm>> -> memref<2512xf32, #tpu.memory_space<hbm>>
    %dma_start3A_166 = arith.constant 27632 : i32
    %dma_start3A_167 = tpu.memref_slice %arg8[%dma_start3A_166] : memref<62800xf32, #tpu.memory_space<vmem>> -> memref<2512xf32, #tpu.memory_space<vmem>>
    %dma_start3A_168 = tpu.memref_slice %arg4[%add3A_162] : memref<480000xf32, #tpu.memory_space<hbm>> -> memref<2512xf32, #tpu.memory_space<hbm>>
    tpu.enqueue_dma source(%dma_start3A_168 : memref<2512xf32, #tpu.memory_space<hbm>>) target(%dma_start3A_167 : memref<2512xf32, #tpu.memory_space<vmem>>) target_semaphore(%arg10 : memref<!tpu.dma_semaphore, #tpu.memory_space<semaphore_mem>>)
    %add3A_169 = arith.constant 20 : i32
    %add3A_170 = arith.addi %add3A_169, %select_n3A : i32
    %mul3A_171 = arith.constant 20000 : i32
    %mul3A_172 = arith.muli %add3A_170, %mul3A_171 : i32
    %add3A_173 = arith.addi %mul3A_172, %min3A_33 : i32
    %dma_start3A_174 = arith.constant 30144 : i32
    %dma_start3A_175 = tpu.memref_slice %arg8[%dma_start3A_174] : memref<62800xf32, #tpu.memory_space<vmem>> -> memref<2512xf32, #tpu.memory_space<vmem>>
    %dma_start3A_176 = tpu.memref_slice %arg4[%add3A_173] : memref<480000xf32, #tpu.memory_space<hbm>> -> memref<2512xf32, #tpu.memory_space<hbm>>
    %dma_start3A_177 = arith.constant 30144 : i32
    %dma_start3A_178 = tpu.memref_slice %arg8[%dma_start3A_177] : memref<62800xf32, #tpu.memory_space<vmem>> -> memref<2512xf32, #tpu.memory_space<vmem>>
    %dma_start3A_179 = tpu.memref_slice %arg4[%add3A_173] : memref<480000xf32, #tpu.memory_space<hbm>> -> memref<2512xf32, #tpu.memory_space<hbm>>
    tpu.enqueue_dma source(%dma_start3A_179 : memref<2512xf32, #tpu.memory_space<hbm>>) target(%dma_start3A_178 : memref<2512xf32, #tpu.memory_space<vmem>>) target_semaphore(%arg10 : memref<!tpu.dma_semaphore, #tpu.memory_space<semaphore_mem>>)
    %mul3A_180 = arith.constant 8 : i32
    %mul3A_181 = arith.muli %select_n3A, %mul3A_180 : i32
    %add3A_182 = arith.constant 0 : i32
    %add3A_183 = arith.addi %mul3A_181, %add3A_182 : i32
    %mul3A_184 = arith.constant 20000 : i32
    %mul3A_185 = arith.muli %add3A_183, %mul3A_184 : i32
    %add3A_186 = arith.addi %mul3A_185, %min3A_33 : i32
    %dma_start3A_187 = arith.constant 32656 : i32
    %dma_start3A_188 = tpu.memref_slice %arg8[%dma_start3A_187] : memref<62800xf32, #tpu.memory_space<vmem>> -> memref<2512xf32, #tpu.memory_space<vmem>>
    %dma_start3A_189 = tpu.memref_slice %arg5[%add3A_186] : memref<640000xf32, #tpu.memory_space<hbm>> -> memref<2512xf32, #tpu.memory_space<hbm>>
    %dma_start3A_190 = arith.constant 32656 : i32
    %dma_start3A_191 = tpu.memref_slice %arg8[%dma_start3A_190] : memref<62800xf32, #tpu.memory_space<vmem>> -> memref<2512xf32, #tpu.memory_space<vmem>>
    %dma_start3A_192 = tpu.memref_slice %arg5[%add3A_186] : memref<640000xf32, #tpu.memory_space<hbm>> -> memref<2512xf32, #tpu.memory_space<hbm>>
    tpu.enqueue_dma source(%dma_start3A_192 : memref<2512xf32, #tpu.memory_space<hbm>>) target(%dma_start3A_191 : memref<2512xf32, #tpu.memory_space<vmem>>) target_semaphore(%arg10 : memref<!tpu.dma_semaphore, #tpu.memory_space<semaphore_mem>>)
    %mul3A_193 = arith.constant 8 : i32
    %mul3A_194 = arith.muli %select_n3A, %mul3A_193 : i32
    %add3A_195 = arith.constant 1 : i32
    %add3A_196 = arith.addi %mul3A_194, %add3A_195 : i32
    %mul3A_197 = arith.constant 20000 : i32
    %mul3A_198 = arith.muli %add3A_196, %mul3A_197 : i32
    %add3A_199 = arith.addi %mul3A_198, %min3A_33 : i32
    %dma_start3A_200 = arith.constant 35168 : i32
    %dma_start3A_201 = tpu.memref_slice %arg8[%dma_start3A_200] : memref<62800xf32, #tpu.memory_space<vmem>> -> memref<2512xf32, #tpu.memory_space<vmem>>
    %dma_start3A_202 = tpu.memref_slice %arg5[%add3A_199] : memref<640000xf32, #tpu.memory_space<hbm>> -> memref<2512xf32, #tpu.memory_space<hbm>>
    %dma_start3A_203 = arith.constant 35168 : i32
    %dma_start3A_204 = tpu.memref_slice %arg8[%dma_start3A_203] : memref<62800xf32, #tpu.memory_space<vmem>> -> memref<2512xf32, #tpu.memory_space<vmem>>
    %dma_start3A_205 = tpu.memref_slice %arg5[%add3A_199] : memref<640000xf32, #tpu.memory_space<hbm>> -> memref<2512xf32, #tpu.memory_space<hbm>>
    tpu.enqueue_dma source(%dma_start3A_205 : memref<2512xf32, #tpu.memory_space<hbm>>) target(%dma_start3A_204 : memref<2512xf32, #tpu.memory_space<vmem>>) target_semaphore(%arg10 : memref<!tpu.dma_semaphore, #tpu.memory_space<semaphore_mem>>)
    %mul3A_206 = arith.constant 8 : i32
    %mul3A_207 = arith.muli %select_n3A, %mul3A_206 : i32
    %add3A_208 = arith.constant 2 : i32
    %add3A_209 = arith.addi %mul3A_207, %add3A_208 : i32
    %mul3A_210 = arith.constant 20000 : i32
    %mul3A_211 = arith.muli %add3A_209, %mul3A_210 : i32
    %add3A_212 = arith.addi %mul3A_211, %min3A_33 : i32
    %dma_start3A_213 = arith.constant 37680 : i32
    %dma_start3A_214 = tpu.memref_slice %arg8[%dma_start3A_213] : memref<62800xf32, #tpu.memory_space<vmem>> -> memref<2512xf32, #tpu.memory_space<vmem>>
    %dma_start3A_215 = tpu.memref_slice %arg5[%add3A_212] : memref<640000xf32, #tpu.memory_space<hbm>> -> memref<2512xf32, #tpu.memory_space<hbm>>
    %dma_start3A_216 = arith.constant 37680 : i32
    %dma_start3A_217 = tpu.memref_slice %arg8[%dma_start3A_216] : memref<62800xf32, #tpu.memory_space<vmem>> -> memref<2512xf32, #tpu.memory_space<vmem>>
    %dma_start3A_218 = tpu.memref_slice %arg5[%add3A_212] : memref<640000xf32, #tpu.memory_space<hbm>> -> memref<2512xf32, #tpu.memory_space<hbm>>
    tpu.enqueue_dma source(%dma_start3A_218 : memref<2512xf32, #tpu.memory_space<hbm>>) target(%dma_start3A_217 : memref<2512xf32, #tpu.memory_space<vmem>>) target_semaphore(%arg10 : memref<!tpu.dma_semaphore, #tpu.memory_space<semaphore_mem>>)
    %mul3A_219 = arith.constant 8 : i32
    %mul3A_220 = arith.muli %select_n3A, %mul3A_219 : i32
    %add3A_221 = arith.constant 3 : i32
    %add3A_222 = arith.addi %mul3A_220, %add3A_221 : i32
    %mul3A_223 = arith.constant 20000 : i32
    %mul3A_224 = arith.muli %add3A_222, %mul3A_223 : i32
    %add3A_225 = arith.addi %mul3A_224, %min3A_33 : i32
    %dma_start3A_226 = arith.constant 40192 : i32
    %dma_start3A_227 = tpu.memref_slice %arg8[%dma_start3A_226] : memref<62800xf32, #tpu.memory_space<vmem>> -> memref<2512xf32, #tpu.memory_space<vmem>>
    %dma_start3A_228 = tpu.memref_slice %arg5[%add3A_225] : memref<640000xf32, #tpu.memory_space<hbm>> -> memref<2512xf32, #tpu.memory_space<hbm>>
    %dma_start3A_229 = arith.constant 40192 : i32
    %dma_start3A_230 = tpu.memref_slice %arg8[%dma_start3A_229] : memref<62800xf32, #tpu.memory_space<vmem>> -> memref<2512xf32, #tpu.memory_space<vmem>>
    %dma_start3A_231 = tpu.memref_slice %arg5[%add3A_225] : memref<640000xf32, #tpu.memory_space<hbm>> -> memref<2512xf32, #tpu.memory_space<hbm>>
    tpu.enqueue_dma source(%dma_start3A_231 : memref<2512xf32, #tpu.memory_space<hbm>>) target(%dma_start3A_230 : memref<2512xf32, #tpu.memory_space<vmem>>) target_semaphore(%arg10 : memref<!tpu.dma_semaphore, #tpu.memory_space<semaphore_mem>>)
    %mul3A_232 = arith.constant 8 : i32
    %mul3A_233 = arith.muli %select_n3A, %mul3A_232 : i32
    %add3A_234 = arith.constant 4 : i32
    %add3A_235 = arith.addi %mul3A_233, %add3A_234 : i32
    %mul3A_236 = arith.constant 20000 : i32
    %mul3A_237 = arith.muli %add3A_235, %mul3A_236 : i32
    %add3A_238 = arith.addi %mul3A_237, %min3A_33 : i32
    %dma_start3A_239 = arith.constant 42704 : i32
    %dma_start3A_240 = tpu.memref_slice %arg8[%dma_start3A_239] : memref<62800xf32, #tpu.memory_space<vmem>> -> memref<2512xf32, #tpu.memory_space<vmem>>
    %dma_start3A_241 = tpu.memref_slice %arg5[%add3A_238] : memref<640000xf32, #tpu.memory_space<hbm>> -> memref<2512xf32, #tpu.memory_space<hbm>>
    %dma_start3A_242 = arith.constant 42704 : i32
    %dma_start3A_243 = tpu.memref_slice %arg8[%dma_start3A_242] : memref<62800xf32, #tpu.memory_space<vmem>> -> memref<2512xf32, #tpu.memory_space<vmem>>
    %dma_start3A_244 = tpu.memref_slice %arg5[%add3A_238] : memref<640000xf32, #tpu.memory_space<hbm>> -> memref<2512xf32, #tpu.memory_space<hbm>>
    tpu.enqueue_dma source(%dma_start3A_244 : memref<2512xf32, #tpu.memory_space<hbm>>) target(%dma_start3A_243 : memref<2512xf32, #tpu.memory_space<vmem>>) target_semaphore(%arg10 : memref<!tpu.dma_semaphore, #tpu.memory_space<semaphore_mem>>)
    %mul3A_245 = arith.constant 8 : i32
    %mul3A_246 = arith.muli %select_n3A, %mul3A_245 : i32
    %add3A_247 = arith.constant 5 : i32
    %add3A_248 = arith.addi %mul3A_246, %add3A_247 : i32
    %mul3A_249 = arith.constant 20000 : i32
    %mul3A_250 = arith.muli %add3A_248, %mul3A_249 : i32
    %add3A_251 = arith.addi %mul3A_250, %min3A_33 : i32
    %dma_start3A_252 = arith.constant 45216 : i32
    %dma_start3A_253 = tpu.memref_slice %arg8[%dma_start3A_252] : memref<62800xf32, #tpu.memory_space<vmem>> -> memref<2512xf32, #tpu.memory_space<vmem>>
    %dma_start3A_254 = tpu.memref_slice %arg5[%add3A_251] : memref<640000xf32, #tpu.memory_space<hbm>> -> memref<2512xf32, #tpu.memory_space<hbm>>
    %dma_start3A_255 = arith.constant 45216 : i32
    %dma_start3A_256 = tpu.memref_slice %arg8[%dma_start3A_255] : memref<62800xf32, #tpu.memory_space<vmem>> -> memref<2512xf32, #tpu.memory_space<vmem>>
    %dma_start3A_257 = tpu.memref_slice %arg5[%add3A_251] : memref<640000xf32, #tpu.memory_space<hbm>> -> memref<2512xf32, #tpu.memory_space<hbm>>
    tpu.enqueue_dma source(%dma_start3A_257 : memref<2512xf32, #tpu.memory_space<hbm>>) target(%dma_start3A_256 : memref<2512xf32, #tpu.memory_space<vmem>>) target_semaphore(%arg10 : memref<!tpu.dma_semaphore, #tpu.memory_space<semaphore_mem>>)
    %mul3A_258 = arith.constant 8 : i32
    %mul3A_259 = arith.muli %select_n3A, %mul3A_258 : i32
    %add3A_260 = arith.constant 6 : i32
    %add3A_261 = arith.addi %mul3A_259, %add3A_260 : i32
    %mul3A_262 = arith.constant 20000 : i32
    %mul3A_263 = arith.muli %add3A_261, %mul3A_262 : i32
    %add3A_264 = arith.addi %mul3A_263, %min3A_33 : i32
    %dma_start3A_265 = arith.constant 47728 : i32
    %dma_start3A_266 = tpu.memref_slice %arg8[%dma_start3A_265] : memref<62800xf32, #tpu.memory_space<vmem>> -> memref<2512xf32, #tpu.memory_space<vmem>>
    %dma_start3A_267 = tpu.memref_slice %arg5[%add3A_264] : memref<640000xf32, #tpu.memory_space<hbm>> -> memref<2512xf32, #tpu.memory_space<hbm>>
    %dma_start3A_268 = arith.constant 47728 : i32
    %dma_start3A_269 = tpu.memref_slice %arg8[%dma_start3A_268] : memref<62800xf32, #tpu.memory_space<vmem>> -> memref<2512xf32, #tpu.memory_space<vmem>>
    %dma_start3A_270 = tpu.memref_slice %arg5[%add3A_264] : memref<640000xf32, #tpu.memory_space<hbm>> -> memref<2512xf32, #tpu.memory_space<hbm>>
    tpu.enqueue_dma source(%dma_start3A_270 : memref<2512xf32, #tpu.memory_space<hbm>>) target(%dma_start3A_269 : memref<2512xf32, #tpu.memory_space<vmem>>) target_semaphore(%arg10 : memref<!tpu.dma_semaphore, #tpu.memory_space<semaphore_mem>>)
    %mul3A_271 = arith.constant 8 : i32
    %mul3A_272 = arith.muli %select_n3A, %mul3A_271 : i32
    %add3A_273 = arith.constant 7 : i32
    %add3A_274 = arith.addi %mul3A_272, %add3A_273 : i32
    %mul3A_275 = arith.constant 20000 : i32
    %mul3A_276 = arith.muli %add3A_274, %mul3A_275 : i32
    %add3A_277 = arith.addi %mul3A_276, %min3A_33 : i32
    %dma_start3A_278 = arith.constant 50240 : i32
    %dma_start3A_279 = tpu.memref_slice %arg8[%dma_start3A_278] : memref<62800xf32, #tpu.memory_space<vmem>> -> memref<2512xf32, #tpu.memory_space<vmem>>
    %dma_start3A_280 = tpu.memref_slice %arg5[%add3A_277] : memref<640000xf32, #tpu.memory_space<hbm>> -> memref<2512xf32, #tpu.memory_space<hbm>>
    %dma_start3A_281 = arith.constant 50240 : i32
    %dma_start3A_282 = tpu.memref_slice %arg8[%dma_start3A_281] : memref<62800xf32, #tpu.memory_space<vmem>> -> memref<2512xf32, #tpu.memory_space<vmem>>
    %dma_start3A_283 = tpu.memref_slice %arg5[%add3A_277] : memref<640000xf32, #tpu.memory_space<hbm>> -> memref<2512xf32, #tpu.memory_space<hbm>>
    tpu.enqueue_dma source(%dma_start3A_283 : memref<2512xf32, #tpu.memory_space<hbm>>) target(%dma_start3A_282 : memref<2512xf32, #tpu.memory_space<vmem>>) target_semaphore(%arg10 : memref<!tpu.dma_semaphore, #tpu.memory_space<semaphore_mem>>)
    %mul3A_284 = arith.constant 4 : i32
    %mul3A_285 = arith.muli %select_n3A, %mul3A_284 : i32
    %add3A_286 = arith.constant 0 : i32
    %add3A_287 = arith.addi %mul3A_285, %add3A_286 : i32
    %mul3A_288 = arith.constant 20000 : i32
    %mul3A_289 = arith.muli %add3A_287, %mul3A_288 : i32
    %add3A_290 = arith.addi %mul3A_289, %min3A_33 : i32
    %dma_start3A_291 = arith.constant 52752 : i32
    %dma_start3A_292 = tpu.memref_slice %arg8[%dma_start3A_291] : memref<62800xf32, #tpu.memory_space<vmem>> -> memref<2512xf32, #tpu.memory_space<vmem>>
    %dma_start3A_293 = tpu.memref_slice %arg6[%add3A_290] : memref<320000xf32, #tpu.memory_space<hbm>> -> memref<2512xf32, #tpu.memory_space<hbm>>
    %dma_start3A_294 = arith.constant 52752 : i32
    %dma_start3A_295 = tpu.memref_slice %arg8[%dma_start3A_294] : memref<62800xf32, #tpu.memory_space<vmem>> -> memref<2512xf32, #tpu.memory_space<vmem>>
    %dma_start3A_296 = tpu.memref_slice %arg6[%add3A_290] : memref<320000xf32, #tpu.memory_space<hbm>> -> memref<2512xf32, #tpu.memory_space<hbm>>
    tpu.enqueue_dma source(%dma_start3A_296 : memref<2512xf32, #tpu.memory_space<hbm>>) target(%dma_start3A_295 : memref<2512xf32, #tpu.memory_space<vmem>>) target_semaphore(%arg10 : memref<!tpu.dma_semaphore, #tpu.memory_space<semaphore_mem>>)
    %mul3A_297 = arith.constant 4 : i32
    %mul3A_298 = arith.muli %select_n3A, %mul3A_297 : i32
    %add3A_299 = arith.constant 1 : i32
    %add3A_300 = arith.addi %mul3A_298, %add3A_299 : i32
    %mul3A_301 = arith.constant 20000 : i32
    %mul3A_302 = arith.muli %add3A_300, %mul3A_301 : i32
    %add3A_303 = arith.addi %mul3A_302, %min3A_33 : i32
    %dma_start3A_304 = arith.constant 55264 : i32
    %dma_start3A_305 = tpu.memref_slice %arg8[%dma_start3A_304] : memref<62800xf32, #tpu.memory_space<vmem>> -> memref<2512xf32, #tpu.memory_space<vmem>>
    %dma_start3A_306 = tpu.memref_slice %arg6[%add3A_303] : memref<320000xf32, #tpu.memory_space<hbm>> -> memref<2512xf32, #tpu.memory_space<hbm>>
    %dma_start3A_307 = arith.constant 55264 : i32
    %dma_start3A_308 = tpu.memref_slice %arg8[%dma_start3A_307] : memref<62800xf32, #tpu.memory_space<vmem>> -> memref<2512xf32, #tpu.memory_space<vmem>>
    %dma_start3A_309 = tpu.memref_slice %arg6[%add3A_303] : memref<320000xf32, #tpu.memory_space<hbm>> -> memref<2512xf32, #tpu.memory_space<hbm>>
    tpu.enqueue_dma source(%dma_start3A_309 : memref<2512xf32, #tpu.memory_space<hbm>>) target(%dma_start3A_308 : memref<2512xf32, #tpu.memory_space<vmem>>) target_semaphore(%arg10 : memref<!tpu.dma_semaphore, #tpu.memory_space<semaphore_mem>>)
    %mul3A_310 = arith.constant 4 : i32
    %mul3A_311 = arith.muli %select_n3A, %mul3A_310 : i32
    %add3A_312 = arith.constant 2 : i32
    %add3A_313 = arith.addi %mul3A_311, %add3A_312 : i32
    %mul3A_314 = arith.constant 20000 : i32
    %mul3A_315 = arith.muli %add3A_313, %mul3A_314 : i32
    %add3A_316 = arith.addi %mul3A_315, %min3A_33 : i32
    %dma_start3A_317 = arith.constant 57776 : i32
    %dma_start3A_318 = tpu.memref_slice %arg8[%dma_start3A_317] : memref<62800xf32, #tpu.memory_space<vmem>> -> memref<2512xf32, #tpu.memory_space<vmem>>
    %dma_start3A_319 = tpu.memref_slice %arg6[%add3A_316] : memref<320000xf32, #tpu.memory_space<hbm>> -> memref<2512xf32, #tpu.memory_space<hbm>>
    %dma_start3A_320 = arith.constant 57776 : i32
    %dma_start3A_321 = tpu.memref_slice %arg8[%dma_start3A_320] : memref<62800xf32, #tpu.memory_space<vmem>> -> memref<2512xf32, #tpu.memory_space<vmem>>
    %dma_start3A_322 = tpu.memref_slice %arg6[%add3A_316] : memref<320000xf32, #tpu.memory_space<hbm>> -> memref<2512xf32, #tpu.memory_space<hbm>>
    tpu.enqueue_dma source(%dma_start3A_322 : memref<2512xf32, #tpu.memory_space<hbm>>) target(%dma_start3A_321 : memref<2512xf32, #tpu.memory_space<vmem>>) target_semaphore(%arg10 : memref<!tpu.dma_semaphore, #tpu.memory_space<semaphore_mem>>)
    %mul3A_323 = arith.constant 4 : i32
    %mul3A_324 = arith.muli %select_n3A, %mul3A_323 : i32
    %add3A_325 = arith.constant 3 : i32
    %add3A_326 = arith.addi %mul3A_324, %add3A_325 : i32
    %mul3A_327 = arith.constant 20000 : i32
    %mul3A_328 = arith.muli %add3A_326, %mul3A_327 : i32
    %add3A_329 = arith.addi %mul3A_328, %min3A_33 : i32
    %dma_start3A_330 = arith.constant 60288 : i32
    %dma_start3A_331 = tpu.memref_slice %arg8[%dma_start3A_330] : memref<62800xf32, #tpu.memory_space<vmem>> -> memref<2512xf32, #tpu.memory_space<vmem>>
    %dma_start3A_332 = tpu.memref_slice %arg6[%add3A_329] : memref<320000xf32, #tpu.memory_space<hbm>> -> memref<2512xf32, #tpu.memory_space<hbm>>
    %dma_start3A_333 = arith.constant 60288 : i32
    %dma_start3A_334 = tpu.memref_slice %arg8[%dma_start3A_333] : memref<62800xf32, #tpu.memory_space<vmem>> -> memref<2512xf32, #tpu.memory_space<vmem>>
    %dma_start3A_335 = tpu.memref_slice %arg6[%add3A_329] : memref<320000xf32, #tpu.memory_space<hbm>> -> memref<2512xf32, #tpu.memory_space<hbm>>
    tpu.enqueue_dma source(%dma_start3A_335 : memref<2512xf32, #tpu.memory_space<hbm>>) target(%dma_start3A_334 : memref<2512xf32, #tpu.memory_space<vmem>>) target_semaphore(%arg10 : memref<!tpu.dma_semaphore, #tpu.memory_space<semaphore_mem>>)
    %dma_wait3A = arith.constant 0 : i32
    %dma_wait3A_336 = tpu.memref_slice %arg8[%dma_wait3A] : memref<62800xf32, #tpu.memory_space<vmem>> -> memref<2512xf32, #tpu.memory_space<vmem>>
    %dma_wait3A_337 = tpu.memref_slice %arg2[%add3A_38] : memref<400000xf32, #tpu.memory_space<hbm>> -> memref<2512xf32, #tpu.memory_space<hbm>>
    %dma_wait3A_338 = arith.constant 0 : i32
    %dma_wait3A_339 = tpu.memref_slice %arg8[%dma_wait3A_338] : memref<62800xf32, #tpu.memory_space<vmem>> -> memref<2512xf32, #tpu.memory_space<vmem>>
    %dma_wait3A_340 = tpu.memref_slice %arg2[%add3A_38] : memref<400000xf32, #tpu.memory_space<hbm>> -> memref<2512xf32, #tpu.memory_space<hbm>>
    tpu.wait_dma2 semaphore(%arg10 : memref<!tpu.dma_semaphore, #tpu.memory_space<semaphore_mem>>) src(%dma_wait3A_340 : memref<2512xf32, #tpu.memory_space<hbm>>) dst(%dma_wait3A_339 : memref<2512xf32, #tpu.memory_space<vmem>>)
    %dma_wait3A_341 = arith.constant 2512 : i32
    %dma_wait3A_342 = tpu.memref_slice %arg8[%dma_wait3A_341] : memref<62800xf32, #tpu.memory_space<vmem>> -> memref<2512xf32, #tpu.memory_space<vmem>>
    %dma_wait3A_343 = tpu.memref_slice %arg2[%add3A_48] : memref<400000xf32, #tpu.memory_space<hbm>> -> memref<2512xf32, #tpu.memory_space<hbm>>
    %dma_wait3A_344 = arith.constant 2512 : i32
    %dma_wait3A_345 = tpu.memref_slice %arg8[%dma_wait3A_344] : memref<62800xf32, #tpu.memory_space<vmem>> -> memref<2512xf32, #tpu.memory_space<vmem>>
    %dma_wait3A_346 = tpu.memref_slice %arg2[%add3A_48] : memref<400000xf32, #tpu.memory_space<hbm>> -> memref<2512xf32, #tpu.memory_space<hbm>>
    tpu.wait_dma2 semaphore(%arg10 : memref<!tpu.dma_semaphore, #tpu.memory_space<semaphore_mem>>) src(%dma_wait3A_346 : memref<2512xf32, #tpu.memory_space<hbm>>) dst(%dma_wait3A_345 : memref<2512xf32, #tpu.memory_space<vmem>>)
    %dma_wait3A_347 = arith.constant 5024 : i32
    %dma_wait3A_348 = tpu.memref_slice %arg8[%dma_wait3A_347] : memref<62800xf32, #tpu.memory_space<vmem>> -> memref<2512xf32, #tpu.memory_space<vmem>>
    %dma_wait3A_349 = tpu.memref_slice %arg2[%add3A_59] : memref<400000xf32, #tpu.memory_space<hbm>> -> memref<2512xf32, #tpu.memory_space<hbm>>
    %dma_wait3A_350 = arith.constant 5024 : i32
    %dma_wait3A_351 = tpu.memref_slice %arg8[%dma_wait3A_350] : memref<62800xf32, #tpu.memory_space<vmem>> -> memref<2512xf32, #tpu.memory_space<vmem>>
    %dma_wait3A_352 = tpu.memref_slice %arg2[%add3A_59] : memref<400000xf32, #tpu.memory_space<hbm>> -> memref<2512xf32, #tpu.memory_space<hbm>>
    tpu.wait_dma2 semaphore(%arg10 : memref<!tpu.dma_semaphore, #tpu.memory_space<semaphore_mem>>) src(%dma_wait3A_352 : memref<2512xf32, #tpu.memory_space<hbm>>) dst(%dma_wait3A_351 : memref<2512xf32, #tpu.memory_space<vmem>>)
    %dma_wait3A_353 = arith.constant 7536 : i32
    %dma_wait3A_354 = tpu.memref_slice %arg8[%dma_wait3A_353] : memref<62800xf32, #tpu.memory_space<vmem>> -> memref<2512xf32, #tpu.memory_space<vmem>>
    %dma_wait3A_355 = tpu.memref_slice %arg2[%add3A_70] : memref<400000xf32, #tpu.memory_space<hbm>> -> memref<2512xf32, #tpu.memory_space<hbm>>
    %dma_wait3A_356 = arith.constant 7536 : i32
    %dma_wait3A_357 = tpu.memref_slice %arg8[%dma_wait3A_356] : memref<62800xf32, #tpu.memory_space<vmem>> -> memref<2512xf32, #tpu.memory_space<vmem>>
    %dma_wait3A_358 = tpu.memref_slice %arg2[%add3A_70] : memref<400000xf32, #tpu.memory_space<hbm>> -> memref<2512xf32, #tpu.memory_space<hbm>>
    tpu.wait_dma2 semaphore(%arg10 : memref<!tpu.dma_semaphore, #tpu.memory_space<semaphore_mem>>) src(%dma_wait3A_358 : memref<2512xf32, #tpu.memory_space<hbm>>) dst(%dma_wait3A_357 : memref<2512xf32, #tpu.memory_space<vmem>>)
    %dma_wait3A_359 = arith.constant 10048 : i32
    %dma_wait3A_360 = tpu.memref_slice %arg8[%dma_wait3A_359] : memref<62800xf32, #tpu.memory_space<vmem>> -> memref<2512xf32, #tpu.memory_space<vmem>>
    %dma_wait3A_361 = tpu.memref_slice %arg2[%add3A_81] : memref<400000xf32, #tpu.memory_space<hbm>> -> memref<2512xf32, #tpu.memory_space<hbm>>
    %dma_wait3A_362 = arith.constant 10048 : i32
    %dma_wait3A_363 = tpu.memref_slice %arg8[%dma_wait3A_362] : memref<62800xf32, #tpu.memory_space<vmem>> -> memref<2512xf32, #tpu.memory_space<vmem>>
    %dma_wait3A_364 = tpu.memref_slice %arg2[%add3A_81] : memref<400000xf32, #tpu.memory_space<hbm>> -> memref<2512xf32, #tpu.memory_space<hbm>>
    tpu.wait_dma2 semaphore(%arg10 : memref<!tpu.dma_semaphore, #tpu.memory_space<semaphore_mem>>) src(%dma_wait3A_364 : memref<2512xf32, #tpu.memory_space<hbm>>) dst(%dma_wait3A_363 : memref<2512xf32, #tpu.memory_space<vmem>>)
    %dma_wait3A_365 = arith.constant 12560 : i32
    %dma_wait3A_366 = tpu.memref_slice %arg8[%dma_wait3A_365] : memref<62800xf32, #tpu.memory_space<vmem>> -> memref<2512xf32, #tpu.memory_space<vmem>>
    %dma_wait3A_367 = tpu.memref_slice %arg3[%add3A_94] : memref<160000xf32, #tpu.memory_space<hbm>> -> memref<2512xf32, #tpu.memory_space<hbm>>
    %dma_wait3A_368 = arith.constant 12560 : i32
    %dma_wait3A_369 = tpu.memref_slice %arg8[%dma_wait3A_368] : memref<62800xf32, #tpu.memory_space<vmem>> -> memref<2512xf32, #tpu.memory_space<vmem>>
    %dma_wait3A_370 = tpu.memref_slice %arg3[%add3A_94] : memref<160000xf32, #tpu.memory_space<hbm>> -> memref<2512xf32, #tpu.memory_space<hbm>>
    tpu.wait_dma2 semaphore(%arg10 : memref<!tpu.dma_semaphore, #tpu.memory_space<semaphore_mem>>) src(%dma_wait3A_370 : memref<2512xf32, #tpu.memory_space<hbm>>) dst(%dma_wait3A_369 : memref<2512xf32, #tpu.memory_space<vmem>>)
    %dma_wait3A_371 = arith.constant 15072 : i32
    %dma_wait3A_372 = tpu.memref_slice %arg8[%dma_wait3A_371] : memref<62800xf32, #tpu.memory_space<vmem>> -> memref<2512xf32, #tpu.memory_space<vmem>>
    %dma_wait3A_373 = tpu.memref_slice %arg3[%add3A_107] : memref<160000xf32, #tpu.memory_space<hbm>> -> memref<2512xf32, #tpu.memory_space<hbm>>
    %dma_wait3A_374 = arith.constant 15072 : i32
    %dma_wait3A_375 = tpu.memref_slice %arg8[%dma_wait3A_374] : memref<62800xf32, #tpu.memory_space<vmem>> -> memref<2512xf32, #tpu.memory_space<vmem>>
    %dma_wait3A_376 = tpu.memref_slice %arg3[%add3A_107] : memref<160000xf32, #tpu.memory_space<hbm>> -> memref<2512xf32, #tpu.memory_space<hbm>>
    tpu.wait_dma2 semaphore(%arg10 : memref<!tpu.dma_semaphore, #tpu.memory_space<semaphore_mem>>) src(%dma_wait3A_376 : memref<2512xf32, #tpu.memory_space<hbm>>) dst(%dma_wait3A_375 : memref<2512xf32, #tpu.memory_space<vmem>>)
    %dma_wait3A_377 = arith.constant 17584 : i32
    %dma_wait3A_378 = tpu.memref_slice %arg8[%dma_wait3A_377] : memref<62800xf32, #tpu.memory_space<vmem>> -> memref<2512xf32, #tpu.memory_space<vmem>>
    %dma_wait3A_379 = tpu.memref_slice %arg4[%add3A_118] : memref<480000xf32, #tpu.memory_space<hbm>> -> memref<2512xf32, #tpu.memory_space<hbm>>
    %dma_wait3A_380 = arith.constant 17584 : i32
    %dma_wait3A_381 = tpu.memref_slice %arg8[%dma_wait3A_380] : memref<62800xf32, #tpu.memory_space<vmem>> -> memref<2512xf32, #tpu.memory_space<vmem>>
    %dma_wait3A_382 = tpu.memref_slice %arg4[%add3A_118] : memref<480000xf32, #tpu.memory_space<hbm>> -> memref<2512xf32, #tpu.memory_space<hbm>>
    tpu.wait_dma2 semaphore(%arg10 : memref<!tpu.dma_semaphore, #tpu.memory_space<semaphore_mem>>) src(%dma_wait3A_382 : memref<2512xf32, #tpu.memory_space<hbm>>) dst(%dma_wait3A_381 : memref<2512xf32, #tpu.memory_space<vmem>>)
    %dma_wait3A_383 = arith.constant 20096 : i32
    %dma_wait3A_384 = tpu.memref_slice %arg8[%dma_wait3A_383] : memref<62800xf32, #tpu.memory_space<vmem>> -> memref<2512xf32, #tpu.memory_space<vmem>>
    %dma_wait3A_385 = tpu.memref_slice %arg4[%add3A_129] : memref<480000xf32, #tpu.memory_space<hbm>> -> memref<2512xf32, #tpu.memory_space<hbm>>
    %dma_wait3A_386 = arith.constant 20096 : i32
    %dma_wait3A_387 = tpu.memref_slice %arg8[%dma_wait3A_386] : memref<62800xf32, #tpu.memory_space<vmem>> -> memref<2512xf32, #tpu.memory_space<vmem>>
    %dma_wait3A_388 = tpu.memref_slice %arg4[%add3A_129] : memref<480000xf32, #tpu.memory_space<hbm>> -> memref<2512xf32, #tpu.memory_space<hbm>>
    tpu.wait_dma2 semaphore(%arg10 : memref<!tpu.dma_semaphore, #tpu.memory_space<semaphore_mem>>) src(%dma_wait3A_388 : memref<2512xf32, #tpu.memory_space<hbm>>) dst(%dma_wait3A_387 : memref<2512xf32, #tpu.memory_space<vmem>>)
    %dma_wait3A_389 = arith.constant 22608 : i32
    %dma_wait3A_390 = tpu.memref_slice %arg8[%dma_wait3A_389] : memref<62800xf32, #tpu.memory_space<vmem>> -> memref<2512xf32, #tpu.memory_space<vmem>>
    %dma_wait3A_391 = tpu.memref_slice %arg4[%add3A_140] : memref<480000xf32, #tpu.memory_space<hbm>> -> memref<2512xf32, #tpu.memory_space<hbm>>
    %dma_wait3A_392 = arith.constant 22608 : i32
    %dma_wait3A_393 = tpu.memref_slice %arg8[%dma_wait3A_392] : memref<62800xf32, #tpu.memory_space<vmem>> -> memref<2512xf32, #tpu.memory_space<vmem>>
    %dma_wait3A_394 = tpu.memref_slice %arg4[%add3A_140] : memref<480000xf32, #tpu.memory_space<hbm>> -> memref<2512xf32, #tpu.memory_space<hbm>>
    tpu.wait_dma2 semaphore(%arg10 : memref<!tpu.dma_semaphore, #tpu.memory_space<semaphore_mem>>) src(%dma_wait3A_394 : memref<2512xf32, #tpu.memory_space<hbm>>) dst(%dma_wait3A_393 : memref<2512xf32, #tpu.memory_space<vmem>>)
    %dma_wait3A_395 = arith.constant 25120 : i32
    %dma_wait3A_396 = tpu.memref_slice %arg8[%dma_wait3A_395] : memref<62800xf32, #tpu.memory_space<vmem>> -> memref<2512xf32, #tpu.memory_space<vmem>>
    %dma_wait3A_397 = tpu.memref_slice %arg4[%add3A_151] : memref<480000xf32, #tpu.memory_space<hbm>> -> memref<2512xf32, #tpu.memory_space<hbm>>
    %dma_wait3A_398 = arith.constant 25120 : i32
    %dma_wait3A_399 = tpu.memref_slice %arg8[%dma_wait3A_398] : memref<62800xf32, #tpu.memory_space<vmem>> -> memref<2512xf32, #tpu.memory_space<vmem>>
    %dma_wait3A_400 = tpu.memref_slice %arg4[%add3A_151] : memref<480000xf32, #tpu.memory_space<hbm>> -> memref<2512xf32, #tpu.memory_space<hbm>>
    tpu.wait_dma2 semaphore(%arg10 : memref<!tpu.dma_semaphore, #tpu.memory_space<semaphore_mem>>) src(%dma_wait3A_400 : memref<2512xf32, #tpu.memory_space<hbm>>) dst(%dma_wait3A_399 : memref<2512xf32, #tpu.memory_space<vmem>>)
    %dma_wait3A_401 = arith.constant 27632 : i32
    %dma_wait3A_402 = tpu.memref_slice %arg8[%dma_wait3A_401] : memref<62800xf32, #tpu.memory_space<vmem>> -> memref<2512xf32, #tpu.memory_space<vmem>>
    %dma_wait3A_403 = tpu.memref_slice %arg4[%add3A_162] : memref<480000xf32, #tpu.memory_space<hbm>> -> memref<2512xf32, #tpu.memory_space<hbm>>
    %dma_wait3A_404 = arith.constant 27632 : i32
    %dma_wait3A_405 = tpu.memref_slice %arg8[%dma_wait3A_404] : memref<62800xf32, #tpu.memory_space<vmem>> -> memref<2512xf32, #tpu.memory_space<vmem>>
    %dma_wait3A_406 = tpu.memref_slice %arg4[%add3A_162] : memref<480000xf32, #tpu.memory_space<hbm>> -> memref<2512xf32, #tpu.memory_space<hbm>>
    tpu.wait_dma2 semaphore(%arg10 : memref<!tpu.dma_semaphore, #tpu.memory_space<semaphore_mem>>) src(%dma_wait3A_406 : memref<2512xf32, #tpu.memory_space<hbm>>) dst(%dma_wait3A_405 : memref<2512xf32, #tpu.memory_space<vmem>>)
    %dma_wait3A_407 = arith.constant 30144 : i32
    %dma_wait3A_408 = tpu.memref_slice %arg8[%dma_wait3A_407] : memref<62800xf32, #tpu.memory_space<vmem>> -> memref<2512xf32, #tpu.memory_space<vmem>>
    %dma_wait3A_409 = tpu.memref_slice %arg4[%add3A_173] : memref<480000xf32, #tpu.memory_space<hbm>> -> memref<2512xf32, #tpu.memory_space<hbm>>
    %dma_wait3A_410 = arith.constant 30144 : i32
    %dma_wait3A_411 = tpu.memref_slice %arg8[%dma_wait3A_410] : memref<62800xf32, #tpu.memory_space<vmem>> -> memref<2512xf32, #tpu.memory_space<vmem>>
    %dma_wait3A_412 = tpu.memref_slice %arg4[%add3A_173] : memref<480000xf32, #tpu.memory_space<hbm>> -> memref<2512xf32, #tpu.memory_space<hbm>>
    tpu.wait_dma2 semaphore(%arg10 : memref<!tpu.dma_semaphore, #tpu.memory_space<semaphore_mem>>) src(%dma_wait3A_412 : memref<2512xf32, #tpu.memory_space<hbm>>) dst(%dma_wait3A_411 : memref<2512xf32, #tpu.memory_space<vmem>>)
    %dma_wait3A_413 = arith.constant 32656 : i32
    %dma_wait3A_414 = tpu.memref_slice %arg8[%dma_wait3A_413] : memref<62800xf32, #tpu.memory_space<vmem>> -> memref<2512xf32, #tpu.memory_space<vmem>>
    %dma_wait3A_415 = tpu.memref_slice %arg5[%add3A_186] : memref<640000xf32, #tpu.memory_space<hbm>> -> memref<2512xf32, #tpu.memory_space<hbm>>
    %dma_wait3A_416 = arith.constant 32656 : i32
    %dma_wait3A_417 = tpu.memref_slice %arg8[%dma_wait3A_416] : memref<62800xf32, #tpu.memory_space<vmem>> -> memref<2512xf32, #tpu.memory_space<vmem>>
    %dma_wait3A_418 = tpu.memref_slice %arg5[%add3A_186] : memref<640000xf32, #tpu.memory_space<hbm>> -> memref<2512xf32, #tpu.memory_space<hbm>>
    tpu.wait_dma2 semaphore(%arg10 : memref<!tpu.dma_semaphore, #tpu.memory_space<semaphore_mem>>) src(%dma_wait3A_418 : memref<2512xf32, #tpu.memory_space<hbm>>) dst(%dma_wait3A_417 : memref<2512xf32, #tpu.memory_space<vmem>>)
    %dma_wait3A_419 = arith.constant 35168 : i32
    %dma_wait3A_420 = tpu.memref_slice %arg8[%dma_wait3A_419] : memref<62800xf32, #tpu.memory_space<vmem>> -> memref<2512xf32, #tpu.memory_space<vmem>>
    %dma_wait3A_421 = tpu.memref_slice %arg5[%add3A_199] : memref<640000xf32, #tpu.memory_space<hbm>> -> memref<2512xf32, #tpu.memory_space<hbm>>
    %dma_wait3A_422 = arith.constant 35168 : i32
    %dma_wait3A_423 = tpu.memref_slice %arg8[%dma_wait3A_422] : memref<62800xf32, #tpu.memory_space<vmem>> -> memref<2512xf32, #tpu.memory_space<vmem>>
    %dma_wait3A_424 = tpu.memref_slice %arg5[%add3A_199] : memref<640000xf32, #tpu.memory_space<hbm>> -> memref<2512xf32, #tpu.memory_space<hbm>>
    tpu.wait_dma2 semaphore(%arg10 : memref<!tpu.dma_semaphore, #tpu.memory_space<semaphore_mem>>) src(%dma_wait3A_424 : memref<2512xf32, #tpu.memory_space<hbm>>) dst(%dma_wait3A_423 : memref<2512xf32, #tpu.memory_space<vmem>>)
    %dma_wait3A_425 = arith.constant 37680 : i32
    %dma_wait3A_426 = tpu.memref_slice %arg8[%dma_wait3A_425] : memref<62800xf32, #tpu.memory_space<vmem>> -> memref<2512xf32, #tpu.memory_space<vmem>>
    %dma_wait3A_427 = tpu.memref_slice %arg5[%add3A_212] : memref<640000xf32, #tpu.memory_space<hbm>> -> memref<2512xf32, #tpu.memory_space<hbm>>
    %dma_wait3A_428 = arith.constant 37680 : i32
    %dma_wait3A_429 = tpu.memref_slice %arg8[%dma_wait3A_428] : memref<62800xf32, #tpu.memory_space<vmem>> -> memref<2512xf32, #tpu.memory_space<vmem>>
    %dma_wait3A_430 = tpu.memref_slice %arg5[%add3A_212] : memref<640000xf32, #tpu.memory_space<hbm>> -> memref<2512xf32, #tpu.memory_space<hbm>>
    tpu.wait_dma2 semaphore(%arg10 : memref<!tpu.dma_semaphore, #tpu.memory_space<semaphore_mem>>) src(%dma_wait3A_430 : memref<2512xf32, #tpu.memory_space<hbm>>) dst(%dma_wait3A_429 : memref<2512xf32, #tpu.memory_space<vmem>>)
    %dma_wait3A_431 = arith.constant 40192 : i32
    %dma_wait3A_432 = tpu.memref_slice %arg8[%dma_wait3A_431] : memref<62800xf32, #tpu.memory_space<vmem>> -> memref<2512xf32, #tpu.memory_space<vmem>>
    %dma_wait3A_433 = tpu.memref_slice %arg5[%add3A_225] : memref<640000xf32, #tpu.memory_space<hbm>> -> memref<2512xf32, #tpu.memory_space<hbm>>
    %dma_wait3A_434 = arith.constant 40192 : i32
    %dma_wait3A_435 = tpu.memref_slice %arg8[%dma_wait3A_434] : memref<62800xf32, #tpu.memory_space<vmem>> -> memref<2512xf32, #tpu.memory_space<vmem>>
    %dma_wait3A_436 = tpu.memref_slice %arg5[%add3A_225] : memref<640000xf32, #tpu.memory_space<hbm>> -> memref<2512xf32, #tpu.memory_space<hbm>>
    tpu.wait_dma2 semaphore(%arg10 : memref<!tpu.dma_semaphore, #tpu.memory_space<semaphore_mem>>) src(%dma_wait3A_436 : memref<2512xf32, #tpu.memory_space<hbm>>) dst(%dma_wait3A_435 : memref<2512xf32, #tpu.memory_space<vmem>>)
    %dma_wait3A_437 = arith.constant 42704 : i32
    %dma_wait3A_438 = tpu.memref_slice %arg8[%dma_wait3A_437] : memref<62800xf32, #tpu.memory_space<vmem>> -> memref<2512xf32, #tpu.memory_space<vmem>>
    %dma_wait3A_439 = tpu.memref_slice %arg5[%add3A_238] : memref<640000xf32, #tpu.memory_space<hbm>> -> memref<2512xf32, #tpu.memory_space<hbm>>
    %dma_wait3A_440 = arith.constant 42704 : i32
    %dma_wait3A_441 = tpu.memref_slice %arg8[%dma_wait3A_440] : memref<62800xf32, #tpu.memory_space<vmem>> -> memref<2512xf32, #tpu.memory_space<vmem>>
    %dma_wait3A_442 = tpu.memref_slice %arg5[%add3A_238] : memref<640000xf32, #tpu.memory_space<hbm>> -> memref<2512xf32, #tpu.memory_space<hbm>>
    tpu.wait_dma2 semaphore(%arg10 : memref<!tpu.dma_semaphore, #tpu.memory_space<semaphore_mem>>) src(%dma_wait3A_442 : memref<2512xf32, #tpu.memory_space<hbm>>) dst(%dma_wait3A_441 : memref<2512xf32, #tpu.memory_space<vmem>>)
    %dma_wait3A_443 = arith.constant 45216 : i32
    %dma_wait3A_444 = tpu.memref_slice %arg8[%dma_wait3A_443] : memref<62800xf32, #tpu.memory_space<vmem>> -> memref<2512xf32, #tpu.memory_space<vmem>>
    %dma_wait3A_445 = tpu.memref_slice %arg5[%add3A_251] : memref<640000xf32, #tpu.memory_space<hbm>> -> memref<2512xf32, #tpu.memory_space<hbm>>
    %dma_wait3A_446 = arith.constant 45216 : i32
    %dma_wait3A_447 = tpu.memref_slice %arg8[%dma_wait3A_446] : memref<62800xf32, #tpu.memory_space<vmem>> -> memref<2512xf32, #tpu.memory_space<vmem>>
    %dma_wait3A_448 = tpu.memref_slice %arg5[%add3A_251] : memref<640000xf32, #tpu.memory_space<hbm>> -> memref<2512xf32, #tpu.memory_space<hbm>>
    tpu.wait_dma2 semaphore(%arg10 : memref<!tpu.dma_semaphore, #tpu.memory_space<semaphore_mem>>) src(%dma_wait3A_448 : memref<2512xf32, #tpu.memory_space<hbm>>) dst(%dma_wait3A_447 : memref<2512xf32, #tpu.memory_space<vmem>>)
    %dma_wait3A_449 = arith.constant 47728 : i32
    %dma_wait3A_450 = tpu.memref_slice %arg8[%dma_wait3A_449] : memref<62800xf32, #tpu.memory_space<vmem>> -> memref<2512xf32, #tpu.memory_space<vmem>>
    %dma_wait3A_451 = tpu.memref_slice %arg5[%add3A_264] : memref<640000xf32, #tpu.memory_space<hbm>> -> memref<2512xf32, #tpu.memory_space<hbm>>
    %dma_wait3A_452 = arith.constant 47728 : i32
    %dma_wait3A_453 = tpu.memref_slice %arg8[%dma_wait3A_452] : memref<62800xf32, #tpu.memory_space<vmem>> -> memref<2512xf32, #tpu.memory_space<vmem>>
    %dma_wait3A_454 = tpu.memref_slice %arg5[%add3A_264] : memref<640000xf32, #tpu.memory_space<hbm>> -> memref<2512xf32, #tpu.memory_space<hbm>>
    tpu.wait_dma2 semaphore(%arg10 : memref<!tpu.dma_semaphore, #tpu.memory_space<semaphore_mem>>) src(%dma_wait3A_454 : memref<2512xf32, #tpu.memory_space<hbm>>) dst(%dma_wait3A_453 : memref<2512xf32, #tpu.memory_space<vmem>>)
    %dma_wait3A_455 = arith.constant 50240 : i32
    %dma_wait3A_456 = tpu.memref_slice %arg8[%dma_wait3A_455] : memref<62800xf32, #tpu.memory_space<vmem>> -> memref<2512xf32, #tpu.memory_space<vmem>>
    %dma_wait3A_457 = tpu.memref_slice %arg5[%add3A_277] : memref<640000xf32, #tpu.memory_space<hbm>> -> memref<2512xf32, #tpu.memory_space<hbm>>
    %dma_wait3A_458 = arith.constant 50240 : i32
    %dma_wait3A_459 = tpu.memref_slice %arg8[%dma_wait3A_458] : memref<62800xf32, #tpu.memory_space<vmem>> -> memref<2512xf32, #tpu.memory_space<vmem>>
    %dma_wait3A_460 = tpu.memref_slice %arg5[%add3A_277] : memref<640000xf32, #tpu.memory_space<hbm>> -> memref<2512xf32, #tpu.memory_space<hbm>>
    tpu.wait_dma2 semaphore(%arg10 : memref<!tpu.dma_semaphore, #tpu.memory_space<semaphore_mem>>) src(%dma_wait3A_460 : memref<2512xf32, #tpu.memory_space<hbm>>) dst(%dma_wait3A_459 : memref<2512xf32, #tpu.memory_space<vmem>>)
    %dma_wait3A_461 = arith.constant 52752 : i32
    %dma_wait3A_462 = tpu.memref_slice %arg8[%dma_wait3A_461] : memref<62800xf32, #tpu.memory_space<vmem>> -> memref<2512xf32, #tpu.memory_space<vmem>>
    %dma_wait3A_463 = tpu.memref_slice %arg6[%add3A_290] : memref<320000xf32, #tpu.memory_space<hbm>> -> memref<2512xf32, #tpu.memory_space<hbm>>
    %dma_wait3A_464 = arith.constant 52752 : i32
    %dma_wait3A_465 = tpu.memref_slice %arg8[%dma_wait3A_464] : memref<62800xf32, #tpu.memory_space<vmem>> -> memref<2512xf32, #tpu.memory_space<vmem>>
    %dma_wait3A_466 = tpu.memref_slice %arg6[%add3A_290] : memref<320000xf32, #tpu.memory_space<hbm>> -> memref<2512xf32, #tpu.memory_space<hbm>>
    tpu.wait_dma2 semaphore(%arg10 : memref<!tpu.dma_semaphore, #tpu.memory_space<semaphore_mem>>) src(%dma_wait3A_466 : memref<2512xf32, #tpu.memory_space<hbm>>) dst(%dma_wait3A_465 : memref<2512xf32, #tpu.memory_space<vmem>>)
    %dma_wait3A_467 = arith.constant 55264 : i32
    %dma_wait3A_468 = tpu.memref_slice %arg8[%dma_wait3A_467] : memref<62800xf32, #tpu.memory_space<vmem>> -> memref<2512xf32, #tpu.memory_space<vmem>>
    %dma_wait3A_469 = tpu.memref_slice %arg6[%add3A_303] : memref<320000xf32, #tpu.memory_space<hbm>> -> memref<2512xf32, #tpu.memory_space<hbm>>
    %dma_wait3A_470 = arith.constant 55264 : i32
    %dma_wait3A_471 = tpu.memref_slice %arg8[%dma_wait3A_470] : memref<62800xf32, #tpu.memory_space<vmem>> -> memref<2512xf32, #tpu.memory_space<vmem>>
    %dma_wait3A_472 = tpu.memref_slice %arg6[%add3A_303] : memref<320000xf32, #tpu.memory_space<hbm>> -> memref<2512xf32, #tpu.memory_space<hbm>>
    tpu.wait_dma2 semaphore(%arg10 : memref<!tpu.dma_semaphore, #tpu.memory_space<semaphore_mem>>) src(%dma_wait3A_472 : memref<2512xf32, #tpu.memory_space<hbm>>) dst(%dma_wait3A_471 : memref<2512xf32, #tpu.memory_space<vmem>>)
    %dma_wait3A_473 = arith.constant 57776 : i32
    %dma_wait3A_474 = tpu.memref_slice %arg8[%dma_wait3A_473] : memref<62800xf32, #tpu.memory_space<vmem>> -> memref<2512xf32, #tpu.memory_space<vmem>>
    %dma_wait3A_475 = tpu.memref_slice %arg6[%add3A_316] : memref<320000xf32, #tpu.memory_space<hbm>> -> memref<2512xf32, #tpu.memory_space<hbm>>
    %dma_wait3A_476 = arith.constant 57776 : i32
    %dma_wait3A_477 = tpu.memref_slice %arg8[%dma_wait3A_476] : memref<62800xf32, #tpu.memory_space<vmem>> -> memref<2512xf32, #tpu.memory_space<vmem>>
    %dma_wait3A_478 = tpu.memref_slice %arg6[%add3A_316] : memref<320000xf32, #tpu.memory_space<hbm>> -> memref<2512xf32, #tpu.memory_space<hbm>>
    tpu.wait_dma2 semaphore(%arg10 : memref<!tpu.dma_semaphore, #tpu.memory_space<semaphore_mem>>) src(%dma_wait3A_478 : memref<2512xf32, #tpu.memory_space<hbm>>) dst(%dma_wait3A_477 : memref<2512xf32, #tpu.memory_space<vmem>>)
    %dma_wait3A_479 = arith.constant 60288 : i32
    %dma_wait3A_480 = tpu.memref_slice %arg8[%dma_wait3A_479] : memref<62800xf32, #tpu.memory_space<vmem>> -> memref<2512xf32, #tpu.memory_space<vmem>>
    %dma_wait3A_481 = tpu.memref_slice %arg6[%add3A_329] : memref<320000xf32, #tpu.memory_space<hbm>> -> memref<2512xf32, #tpu.memory_space<hbm>>
    %dma_wait3A_482 = arith.constant 60288 : i32
    %dma_wait3A_483 = tpu.memref_slice %arg8[%dma_wait3A_482] : memref<62800xf32, #tpu.memory_space<vmem>> -> memref<2512xf32, #tpu.memory_space<vmem>>
    %dma_wait3A_484 = tpu.memref_slice %arg6[%add3A_329] : memref<320000xf32, #tpu.memory_space<hbm>> -> memref<2512xf32, #tpu.memory_space<hbm>>
    tpu.wait_dma2 semaphore(%arg10 : memref<!tpu.dma_semaphore, #tpu.memory_space<semaphore_mem>>) src(%dma_wait3A_484 : memref<2512xf32, #tpu.memory_space<hbm>>) dst(%dma_wait3A_483 : memref<2512xf32, #tpu.memory_space<vmem>>)
    %parallel_loop3A = arith.constant 0 : i32
    %parallel_loop3A_485 = arith.constant 157 : i32
    %parallel_loop3A_486 = arith.constant 1 : i32
    scf.for %parallel_loop3A_640 = %parallel_loop3A to %parallel_loop3A_485 step %parallel_loop3A_486  : i32 {
      %parallel_loop3A_641 = arith.constant 16 : i32
      %parallel_loop3A_642 = arith.muli %parallel_loop3A_640, %parallel_loop3A_641 : i32
      %parallel_loop3A_643 = arith.constant 0 : i32
      %parallel_loop3A_644 = arith.addi %parallel_loop3A_643, %parallel_loop3A_642 : i32
      %parallel_loop3A_645 = arith.index_cast %parallel_loop3A_644 : i32 to index
      %parallel_loop3A_646 = tpu.vector_load %arg8[%parallel_loop3A_645] {strides = array<i32>} : memref<62800xf32, #tpu.memory_space<vmem>>, vector<16xf32>,
      %parallel_loop3A_647 = vector.shape_cast %parallel_loop3A_646 : vector<16xf32> to vector<16xf32>
      %parallel_loop3A_648 = arith.constant 2512 : i32
      %parallel_loop3A_649 = arith.addi %parallel_loop3A_648, %parallel_loop3A_642 : i32
      %parallel_loop3A_650 = arith.index_cast %parallel_loop3A_649 : i32 to index
      %parallel_loop3A_651 = tpu.vector_load %arg8[%parallel_loop3A_650] {strides = array<i32>} : memref<62800xf32, #tpu.memory_space<vmem>>, vector<16xf32>,
      %parallel_loop3A_652 = vector.shape_cast %parallel_loop3A_651 : vector<16xf32> to vector<16xf32>
      %parallel_loop3A_653 = arith.constant 5024 : i32
      %parallel_loop3A_654 = arith.addi %parallel_loop3A_653, %parallel_loop3A_642 : i32
      %parallel_loop3A_655 = arith.index_cast %parallel_loop3A_654 : i32 to index
      %parallel_loop3A_656 = tpu.vector_load %arg8[%parallel_loop3A_655] {strides = array<i32>} : memref<62800xf32, #tpu.memory_space<vmem>>, vector<16xf32>,
      %parallel_loop3A_657 = vector.shape_cast %parallel_loop3A_656 : vector<16xf32> to vector<16xf32>
      %parallel_loop3A_658 = arith.constant 7536 : i32
      %parallel_loop3A_659 = arith.addi %parallel_loop3A_658, %parallel_loop3A_642 : i32
      %parallel_loop3A_660 = arith.index_cast %parallel_loop3A_659 : i32 to index
      %parallel_loop3A_661 = tpu.vector_load %arg8[%parallel_loop3A_660] {strides = array<i32>} : memref<62800xf32, #tpu.memory_space<vmem>>, vector<16xf32>,
      %parallel_loop3A_662 = vector.shape_cast %parallel_loop3A_661 : vector<16xf32> to vector<16xf32>
      %parallel_loop3A_663 = arith.constant 10048 : i32
      %parallel_loop3A_664 = arith.addi %parallel_loop3A_663, %parallel_loop3A_642 : i32
      %parallel_loop3A_665 = arith.index_cast %parallel_loop3A_664 : i32 to index
      %parallel_loop3A_666 = tpu.vector_load %arg8[%parallel_loop3A_665] {strides = array<i32>} : memref<62800xf32, #tpu.memory_space<vmem>>, vector<16xf32>,
      %parallel_loop3A_667 = vector.shape_cast %parallel_loop3A_666 : vector<16xf32> to vector<16xf32>
      %parallel_loop3A_668 = arith.constant 12560 : i32
      %parallel_loop3A_669 = arith.addi %parallel_loop3A_668, %parallel_loop3A_642 : i32
      %parallel_loop3A_670 = arith.index_cast %parallel_loop3A_669 : i32 to index
      %parallel_loop3A_671 = tpu.vector_load %arg8[%parallel_loop3A_670] {strides = array<i32>} : memref<62800xf32, #tpu.memory_space<vmem>>, vector<16xf32>,
      %parallel_loop3A_672 = vector.shape_cast %parallel_loop3A_671 : vector<16xf32> to vector<16xf32>
      %parallel_loop3A_673 = arith.constant 15072 : i32
      %parallel_loop3A_674 = arith.addi %parallel_loop3A_673, %parallel_loop3A_642 : i32
      %parallel_loop3A_675 = arith.index_cast %parallel_loop3A_674 : i32 to index
      %parallel_loop3A_676 = tpu.vector_load %arg8[%parallel_loop3A_675] {strides = array<i32>} : memref<62800xf32, #tpu.memory_space<vmem>>, vector<16xf32>,
      %parallel_loop3A_677 = vector.shape_cast %parallel_loop3A_676 : vector<16xf32> to vector<16xf32>
      %parallel_loop3A_678 = arith.constant 17584 : i32
      %parallel_loop3A_679 = arith.addi %parallel_loop3A_678, %parallel_loop3A_642 : i32
      %parallel_loop3A_680 = arith.index_cast %parallel_loop3A_679 : i32 to index
      %parallel_loop3A_681 = tpu.vector_load %arg8[%parallel_loop3A_680] {strides = array<i32>} : memref<62800xf32, #tpu.memory_space<vmem>>, vector<16xf32>,
      %parallel_loop3A_682 = vector.shape_cast %parallel_loop3A_681 : vector<16xf32> to vector<16xf32>
      %parallel_loop3A_683 = arith.constant 20096 : i32
      %parallel_loop3A_684 = arith.addi %parallel_loop3A_683, %parallel_loop3A_642 : i32
      %parallel_loop3A_685 = arith.index_cast %parallel_loop3A_684 : i32 to index
      %parallel_loop3A_686 = tpu.vector_load %arg8[%parallel_loop3A_685] {strides = array<i32>} : memref<62800xf32, #tpu.memory_space<vmem>>, vector<16xf32>,
      %parallel_loop3A_687 = vector.shape_cast %parallel_loop3A_686 : vector<16xf32> to vector<16xf32>
      %parallel_loop3A_688 = arith.constant 22608 : i32
      %parallel_loop3A_689 = arith.addi %parallel_loop3A_688, %parallel_loop3A_642 : i32
      %parallel_loop3A_690 = arith.index_cast %parallel_loop3A_689 : i32 to index
      %parallel_loop3A_691 = tpu.vector_load %arg8[%parallel_loop3A_690] {strides = array<i32>} : memref<62800xf32, #tpu.memory_space<vmem>>, vector<16xf32>,
      %parallel_loop3A_692 = vector.shape_cast %parallel_loop3A_691 : vector<16xf32> to vector<16xf32>
      %parallel_loop3A_693 = arith.constant 25120 : i32
      %parallel_loop3A_694 = arith.addi %parallel_loop3A_693, %parallel_loop3A_642 : i32
      %parallel_loop3A_695 = arith.index_cast %parallel_loop3A_694 : i32 to index
      %parallel_loop3A_696 = tpu.vector_load %arg8[%parallel_loop3A_695] {strides = array<i32>} : memref<62800xf32, #tpu.memory_space<vmem>>, vector<16xf32>,
      %parallel_loop3A_697 = vector.shape_cast %parallel_loop3A_696 : vector<16xf32> to vector<16xf32>
      %parallel_loop3A_698 = arith.constant 27632 : i32
      %parallel_loop3A_699 = arith.addi %parallel_loop3A_698, %parallel_loop3A_642 : i32
      %parallel_loop3A_700 = arith.index_cast %parallel_loop3A_699 : i32 to index
      %parallel_loop3A_701 = tpu.vector_load %arg8[%parallel_loop3A_700] {strides = array<i32>} : memref<62800xf32, #tpu.memory_space<vmem>>, vector<16xf32>,
      %parallel_loop3A_702 = vector.shape_cast %parallel_loop3A_701 : vector<16xf32> to vector<16xf32>
      %parallel_loop3A_703 = arith.constant 30144 : i32
      %parallel_loop3A_704 = arith.addi %parallel_loop3A_703, %parallel_loop3A_642 : i32
      %parallel_loop3A_705 = arith.index_cast %parallel_loop3A_704 : i32 to index
      %parallel_loop3A_706 = tpu.vector_load %arg8[%parallel_loop3A_705] {strides = array<i32>} : memref<62800xf32, #tpu.memory_space<vmem>>, vector<16xf32>,
      %parallel_loop3A_707 = vector.shape_cast %parallel_loop3A_706 : vector<16xf32> to vector<16xf32>
      %parallel_loop3A_708 = arith.constant 32656 : i32
      %parallel_loop3A_709 = arith.addi %parallel_loop3A_708, %parallel_loop3A_642 : i32
      %parallel_loop3A_710 = arith.index_cast %parallel_loop3A_709 : i32 to index
      %parallel_loop3A_711 = tpu.vector_load %arg8[%parallel_loop3A_710] {strides = array<i32>} : memref<62800xf32, #tpu.memory_space<vmem>>, vector<16xf32>,
      %parallel_loop3A_712 = vector.shape_cast %parallel_loop3A_711 : vector<16xf32> to vector<16xf32>
      %parallel_loop3A_713 = arith.constant 35168 : i32
      %parallel_loop3A_714 = arith.addi %parallel_loop3A_713, %parallel_loop3A_642 : i32
      %parallel_loop3A_715 = arith.index_cast %parallel_loop3A_714 : i32 to index
      %parallel_loop3A_716 = tpu.vector_load %arg8[%parallel_loop3A_715] {strides = array<i32>} : memref<62800xf32, #tpu.memory_space<vmem>>, vector<16xf32>,
      %parallel_loop3A_717 = vector.shape_cast %parallel_loop3A_716 : vector<16xf32> to vector<16xf32>
      %parallel_loop3A_718 = arith.constant 37680 : i32
      %parallel_loop3A_719 = arith.addi %parallel_loop3A_718, %parallel_loop3A_642 : i32
      %parallel_loop3A_720 = arith.index_cast %parallel_loop3A_719 : i32 to index
      %parallel_loop3A_721 = tpu.vector_load %arg8[%parallel_loop3A_720] {strides = array<i32>} : memref<62800xf32, #tpu.memory_space<vmem>>, vector<16xf32>,
      %parallel_loop3A_722 = vector.shape_cast %parallel_loop3A_721 : vector<16xf32> to vector<16xf32>
      %parallel_loop3A_723 = arith.constant 40192 : i32
      %parallel_loop3A_724 = arith.addi %parallel_loop3A_723, %parallel_loop3A_642 : i32
      %parallel_loop3A_725 = arith.index_cast %parallel_loop3A_724 : i32 to index
      %parallel_loop3A_726 = tpu.vector_load %arg8[%parallel_loop3A_725] {strides = array<i32>} : memref<62800xf32, #tpu.memory_space<vmem>>, vector<16xf32>,
      %parallel_loop3A_727 = vector.shape_cast %parallel_loop3A_726 : vector<16xf32> to vector<16xf32>
      %parallel_loop3A_728 = arith.constant 42704 : i32
      %parallel_loop3A_729 = arith.addi %parallel_loop3A_728, %parallel_loop3A_642 : i32
      %parallel_loop3A_730 = arith.index_cast %parallel_loop3A_729 : i32 to index
      %parallel_loop3A_731 = tpu.vector_load %arg8[%parallel_loop3A_730] {strides = array<i32>} : memref<62800xf32, #tpu.memory_space<vmem>>, vector<16xf32>,
      %parallel_loop3A_732 = vector.shape_cast %parallel_loop3A_731 : vector<16xf32> to vector<16xf32>
      %parallel_loop3A_733 = arith.constant 45216 : i32
      %parallel_loop3A_734 = arith.addi %parallel_loop3A_733, %parallel_loop3A_642 : i32
      %parallel_loop3A_735 = arith.index_cast %parallel_loop3A_734 : i32 to index
      %parallel_loop3A_736 = tpu.vector_load %arg8[%parallel_loop3A_735] {strides = array<i32>} : memref<62800xf32, #tpu.memory_space<vmem>>, vector<16xf32>,
      %parallel_loop3A_737 = vector.shape_cast %parallel_loop3A_736 : vector<16xf32> to vector<16xf32>
      %parallel_loop3A_738 = arith.constant 47728 : i32
      %parallel_loop3A_739 = arith.addi %parallel_loop3A_738, %parallel_loop3A_642 : i32
      %parallel_loop3A_740 = arith.index_cast %parallel_loop3A_739 : i32 to index
      %parallel_loop3A_741 = tpu.vector_load %arg8[%parallel_loop3A_740] {strides = array<i32>} : memref<62800xf32, #tpu.memory_space<vmem>>, vector<16xf32>,
      %parallel_loop3A_742 = vector.shape_cast %parallel_loop3A_741 : vector<16xf32> to vector<16xf32>
      %parallel_loop3A_743 = arith.constant 50240 : i32
      %parallel_loop3A_744 = arith.addi %parallel_loop3A_743, %parallel_loop3A_642 : i32
      %parallel_loop3A_745 = arith.index_cast %parallel_loop3A_744 : i32 to index
      %parallel_loop3A_746 = tpu.vector_load %arg8[%parallel_loop3A_745] {strides = array<i32>} : memref<62800xf32, #tpu.memory_space<vmem>>, vector<16xf32>,
      %parallel_loop3A_747 = vector.shape_cast %parallel_loop3A_746 : vector<16xf32> to vector<16xf32>
      %parallel_loop3A_748 = arith.constant 52752 : i32
      %parallel_loop3A_749 = arith.addi %parallel_loop3A_748, %parallel_loop3A_642 : i32
      %parallel_loop3A_750 = arith.index_cast %parallel_loop3A_749 : i32 to index
      %parallel_loop3A_751 = tpu.vector_load %arg8[%parallel_loop3A_750] {strides = array<i32>} : memref<62800xf32, #tpu.memory_space<vmem>>, vector<16xf32>,
      %parallel_loop3A_752 = vector.shape_cast %parallel_loop3A_751 : vector<16xf32> to vector<16xf32>
      %parallel_loop3A_753 = arith.constant 55264 : i32
      %parallel_loop3A_754 = arith.addi %parallel_loop3A_753, %parallel_loop3A_642 : i32
      %parallel_loop3A_755 = arith.index_cast %parallel_loop3A_754 : i32 to index
      %parallel_loop3A_756 = tpu.vector_load %arg8[%parallel_loop3A_755] {strides = array<i32>} : memref<62800xf32, #tpu.memory_space<vmem>>, vector<16xf32>,
      %parallel_loop3A_757 = vector.shape_cast %parallel_loop3A_756 : vector<16xf32> to vector<16xf32>
      %parallel_loop3A_758 = arith.constant 57776 : i32
      %parallel_loop3A_759 = arith.addi %parallel_loop3A_758, %parallel_loop3A_642 : i32
      %parallel_loop3A_760 = arith.index_cast %parallel_loop3A_759 : i32 to index
      %parallel_loop3A_761 = tpu.vector_load %arg8[%parallel_loop3A_760] {strides = array<i32>} : memref<62800xf32, #tpu.memory_space<vmem>>, vector<16xf32>,
      %parallel_loop3A_762 = vector.shape_cast %parallel_loop3A_761 : vector<16xf32> to vector<16xf32>
      %parallel_loop3A_763 = arith.constant 60288 : i32
      %parallel_loop3A_764 = arith.addi %parallel_loop3A_763, %parallel_loop3A_642 : i32
      %parallel_loop3A_765 = arith.index_cast %parallel_loop3A_764 : i32 to index
      %parallel_loop3A_766 = tpu.vector_load %arg8[%parallel_loop3A_765] {strides = array<i32>} : memref<62800xf32, #tpu.memory_space<vmem>>, vector<16xf32>,
      %parallel_loop3A_767 = vector.shape_cast %parallel_loop3A_766 : vector<16xf32> to vector<16xf32>
      %parallel_loop3A_768 = arith.constant 0.000000e+00 : f32
      %parallel_loop3A_769 = vector.broadcast %parallel_loop3A_768 : f32 to vector<16xf32>
      %parallel_loop3A_770 = arith.maximumf %parallel_loop3A_647, %parallel_loop3A_769 : vector<16xf32>
      %parallel_loop3A_771 = arith.constant 0.000000e+00 : f32
      %parallel_loop3A_772 = vector.broadcast %parallel_loop3A_771 : f32 to vector<16xf32>
      %parallel_loop3A_773 = arith.maximumf %parallel_loop3A_652, %parallel_loop3A_772 : vector<16xf32>
      %parallel_loop3A_774 = arith.constant 0.000000e+00 : f32
      %parallel_loop3A_775 = vector.broadcast %parallel_loop3A_774 : f32 to vector<16xf32>
      %parallel_loop3A_776 = arith.maximumf %parallel_loop3A_657, %parallel_loop3A_775 : vector<16xf32>
      %parallel_loop3A_777 = arith.constant 0.000000e+00 : f32
      %parallel_loop3A_778 = vector.broadcast %parallel_loop3A_777 : f32 to vector<16xf32>
      %parallel_loop3A_779 = arith.maximumf %parallel_loop3A_662, %parallel_loop3A_778 : vector<16xf32>
      %parallel_loop3A_780 = arith.constant 0.000000e+00 : f32
      %parallel_loop3A_781 = vector.broadcast %parallel_loop3A_780 : f32 to vector<16xf32>
      %parallel_loop3A_782 = arith.maximumf %parallel_loop3A_667, %parallel_loop3A_781 : vector<16xf32>
      %parallel_loop3A_783 = arith.addf %parallel_loop3A_770, %parallel_loop3A_773 : vector<16xf32>
      %parallel_loop3A_784 = arith.addf %parallel_loop3A_776, %parallel_loop3A_779 : vector<16xf32>
      %parallel_loop3A_785 = arith.addf %parallel_loop3A_783, %parallel_loop3A_784 : vector<16xf32>
      %parallel_loop3A_786 = arith.constant 5.000000e+00 : f32
      %parallel_loop3A_787 = vector.broadcast %parallel_loop3A_786 : f32 to vector<16xf32>
      %parallel_loop3A_788 = arith.addf %parallel_loop3A_782, %parallel_loop3A_787 : vector<16xf32>
      %parallel_loop3A_789 = arith.addf %parallel_loop3A_785, %parallel_loop3A_788 : vector<16xf32>
      %parallel_loop3A_790 = arith.constant 1.000000e+00 : f32
      %parallel_loop3A_791 = vector.broadcast %parallel_loop3A_790 : f32 to vector<16xf32>
      %parallel_loop3A_792 = arith.divf %parallel_loop3A_791, %parallel_loop3A_789 : vector<16xf32>
      %parallel_loop3A_793 = arith.maximumf %parallel_loop3A_773, %parallel_loop3A_776 : vector<16xf32>
      %parallel_loop3A_794 = arith.maximumf %parallel_loop3A_779, %parallel_loop3A_782 : vector<16xf32>
      %parallel_loop3A_795 = arith.maximumf %parallel_loop3A_793, %parallel_loop3A_794 : vector<16xf32>
      %parallel_loop3A_796 = arith.constant 1.000000e+00 : f32
      %parallel_loop3A_797 = vector.broadcast %parallel_loop3A_796 : f32 to vector<16xf32>
      %parallel_loop3A_798 = arith.addf %parallel_loop3A_795, %parallel_loop3A_797 : vector<16xf32>
      %parallel_loop3A_799 = arith.mulf %parallel_loop3A_798, %parallel_loop3A_792 : vector<16xf32>
      %parallel_loop3A_800 = arith.constant 5.000000e-01 : f32
      %parallel_loop3A_801 = vector.broadcast %parallel_loop3A_800 : f32 to vector<16xf32>
      %parallel_loop3A_802 = arith.cmpf ogt, %parallel_loop3A_799, %parallel_loop3A_801 : vector<16xf32>
      %parallel_loop3A_803 = arith.constant 1.000000e+00 : f32
      %parallel_loop3A_804 = vector.broadcast %parallel_loop3A_803 : f32 to vector<16xf32>
      %parallel_loop3A_805 = arith.addf %parallel_loop3A_770, %parallel_loop3A_804 : vector<16xf32>
      %parallel_loop3A_806 = arith.mulf %parallel_loop3A_805, %parallel_loop3A_792 : vector<16xf32>
      %parallel_loop3A_807 = arith.maximumf %parallel_loop3A_799, %parallel_loop3A_806 : vector<16xf32>
      %parallel_loop3A_808 = arith.constant 8.000000e-01 : f32
      %parallel_loop3A_809 = vector.broadcast %parallel_loop3A_808 : f32 to vector<16xf32>
      %parallel_loop3A_810 = arith.mulf %parallel_loop3A_682, %parallel_loop3A_809 : vector<16xf32>
      %parallel_loop3A_811 = arith.addf %parallel_loop3A_672, %parallel_loop3A_810 : vector<16xf32>
      %parallel_loop3A_812 = arith.constant 8.000000e-01 : f32
      %parallel_loop3A_813 = vector.broadcast %parallel_loop3A_812 : f32 to vector<16xf32>
      %parallel_loop3A_814 = arith.mulf %parallel_loop3A_687, %parallel_loop3A_813 : vector<16xf32>
      %parallel_loop3A_815 = arith.addf %parallel_loop3A_677, %parallel_loop3A_814 : vector<16xf32>
      %parallel_loop3A_816 = arith.constant 4.000000e+00 : f32
      %parallel_loop3A_817 = vector.broadcast %parallel_loop3A_816 : f32 to vector<16xf32>
      %parallel_loop3A_818 = arith.minimumf %parallel_loop3A_697, %parallel_loop3A_817 : vector<16xf32>
      %parallel_loop3A_819 = arith.constant -4.000000e+00 : f32
      %parallel_loop3A_820 = vector.broadcast %parallel_loop3A_819 : f32 to vector<16xf32>
      %parallel_loop3A_821 = arith.maximumf %parallel_loop3A_818, %parallel_loop3A_820 : vector<16xf32>
      %parallel_loop3A_822 = math.exp %parallel_loop3A_821 : vector<16xf32>
      %parallel_loop3A_823 = arith.constant 4.000000e+00 : f32
      %parallel_loop3A_824 = vector.broadcast %parallel_loop3A_823 : f32 to vector<16xf32>
      %parallel_loop3A_825 = arith.minimumf %parallel_loop3A_702, %parallel_loop3A_824 : vector<16xf32>
      %parallel_loop3A_826 = arith.constant -4.000000e+00 : f32
      %parallel_loop3A_827 = vector.broadcast %parallel_loop3A_826 : f32 to vector<16xf32>
      %parallel_loop3A_828 = arith.maximumf %parallel_loop3A_825, %parallel_loop3A_827 : vector<16xf32>
      %parallel_loop3A_829 = math.exp %parallel_loop3A_828 : vector<16xf32>
      %parallel_loop3A_830 = arith.constant 4.000000e+00 : f32
      %parallel_loop3A_831 = vector.broadcast %parallel_loop3A_830 : f32 to vector<16xf32>
      %parallel_loop3A_832 = arith.minimumf %parallel_loop3A_707, %parallel_loop3A_831 : vector<16xf32>
      %parallel_loop3A_833 = arith.constant -4.000000e+00 : f32
      %parallel_loop3A_834 = vector.broadcast %parallel_loop3A_833 : f32 to vector<16xf32>
      %parallel_loop3A_835 = arith.maximumf %parallel_loop3A_832, %parallel_loop3A_834 : vector<16xf32>
      %parallel_loop3A_836 = math.exp %parallel_loop3A_835 : vector<16xf32>
      %parallel_loop3A_837 = arith.constant 0.000000e+00 : f32
      %parallel_loop3A_838 = vector.broadcast %parallel_loop3A_837 : f32 to vector<16xf32>
      %parallel_loop3A_839 = arith.cmpf ogt, %parallel_loop3A_757, %parallel_loop3A_752 : vector<16xf32>
      %parallel_loop3A_840 = arith.select %parallel_loop3A_839, %parallel_loop3A_757, %parallel_loop3A_752 : vector<16xi1>, vector<16xf32>
      %parallel_loop3A_841 = arith.constant 1.000000e+00 : f32
      %parallel_loop3A_842 = vector.broadcast %parallel_loop3A_841 : f32 to vector<16xf32>
      %parallel_loop3A_843 = arith.select %parallel_loop3A_839, %parallel_loop3A_842, %parallel_loop3A_838 : vector<16xi1>, vector<16xf32>
      %parallel_loop3A_844 = arith.select %parallel_loop3A_839, %parallel_loop3A_722, %parallel_loop3A_712 : vector<16xi1>, vector<16xf32>
      %parallel_loop3A_845 = arith.select %parallel_loop3A_839, %parallel_loop3A_727, %parallel_loop3A_717 : vector<16xi1>, vector<16xf32>
      %parallel_loop3A_846 = arith.cmpf ogt, %parallel_loop3A_762, %parallel_loop3A_840 : vector<16xf32>
      %parallel_loop3A_847 = arith.select %parallel_loop3A_846, %parallel_loop3A_762, %parallel_loop3A_840 : vector<16xi1>, vector<16xf32>
      %parallel_loop3A_848 = arith.constant 2.000000e+00 : f32
      %parallel_loop3A_849 = vector.broadcast %parallel_loop3A_848 : f32 to vector<16xf32>
      %parallel_loop3A_850 = arith.select %parallel_loop3A_846, %parallel_loop3A_849, %parallel_loop3A_843 : vector<16xi1>, vector<16xf32>
      %parallel_loop3A_851 = arith.select %parallel_loop3A_846, %parallel_loop3A_732, %parallel_loop3A_844 : vector<16xi1>, vector<16xf32>
      %parallel_loop3A_852 = arith.select %parallel_loop3A_846, %parallel_loop3A_737, %parallel_loop3A_845 : vector<16xi1>, vector<16xf32>
      %parallel_loop3A_853 = arith.cmpf ogt, %parallel_loop3A_767, %parallel_loop3A_847 : vector<16xf32>
      %parallel_loop3A_854 = arith.select %parallel_loop3A_853, %parallel_loop3A_767, %parallel_loop3A_847 : vector<16xi1>, vector<16xf32>
      %parallel_loop3A_855 = arith.constant 3.000000e+00 : f32
      %parallel_loop3A_856 = vector.broadcast %parallel_loop3A_855 : f32 to vector<16xf32>
      %parallel_loop3A_857 = arith.select %parallel_loop3A_853, %parallel_loop3A_856, %parallel_loop3A_850 : vector<16xi1>, vector<16xf32>
      %parallel_loop3A_858 = arith.select %parallel_loop3A_853, %parallel_loop3A_742, %parallel_loop3A_851 : vector<16xi1>, vector<16xf32>
      %parallel_loop3A_859 = arith.select %parallel_loop3A_853, %parallel_loop3A_747, %parallel_loop3A_852 : vector<16xi1>, vector<16xf32>
      %parallel_loop3A_860 = math.absf %parallel_loop3A_859 : vector<16xf32>
      %parallel_loop3A_861 = math.absf %parallel_loop3A_858 : vector<16xf32>
      %parallel_loop3A_862 = arith.maximumf %parallel_loop3A_860, %parallel_loop3A_861 : vector<16xf32>
      %parallel_loop3A_863 = arith.minimumf %parallel_loop3A_860, %parallel_loop3A_861 : vector<16xf32>
      %parallel_loop3A_864 = arith.constant 1.000000e-30 : f32
      %parallel_loop3A_865 = vector.broadcast %parallel_loop3A_864 : f32 to vector<16xf32>
      %parallel_loop3A_866 = arith.maximumf %parallel_loop3A_862, %parallel_loop3A_865 : vector<16xf32>
      %parallel_loop3A_867 = arith.divf %parallel_loop3A_863, %parallel_loop3A_866 : vector<16xf32>
      %parallel_loop3A_868 = arith.constant 0.414213568 : f32
      %parallel_loop3A_869 = vector.broadcast %parallel_loop3A_868 : f32 to vector<16xf32>
      %parallel_loop3A_870 = arith.cmpf ogt, %parallel_loop3A_867, %parallel_loop3A_869 : vector<16xf32>
      %parallel_loop3A_871 = arith.constant 1.000000e+00 : f32
      %parallel_loop3A_872 = vector.broadcast %parallel_loop3A_871 : f32 to vector<16xf32>
      %parallel_loop3A_873 = arith.subf %parallel_loop3A_867, %parallel_loop3A_872 : vector<16xf32>
      %parallel_loop3A_874 = arith.constant 1.000000e+00 : f32
      %parallel_loop3A_875 = vector.broadcast %parallel_loop3A_874 : f32 to vector<16xf32>
      %parallel_loop3A_876 = arith.addf %parallel_loop3A_867, %parallel_loop3A_875 : vector<16xf32>
      %parallel_loop3A_877 = arith.divf %parallel_loop3A_873, %parallel_loop3A_876 : vector<16xf32>
      %parallel_loop3A_878 = arith.select %parallel_loop3A_870, %parallel_loop3A_877, %parallel_loop3A_867 : vector<16xi1>, vector<16xf32>
      %parallel_loop3A_879 = arith.mulf %parallel_loop3A_878, %parallel_loop3A_878 : vector<16xf32>
      %parallel_loop3A_880 = arith.constant 0.0805374458 : f32
      %parallel_loop3A_881 = vector.broadcast %parallel_loop3A_880 : f32 to vector<16xf32>
      %parallel_loop3A_882 = arith.mulf %parallel_loop3A_881, %parallel_loop3A_879 : vector<16xf32>
      %parallel_loop3A_883 = arith.constant 0.138776854 : f32
      %parallel_loop3A_884 = vector.broadcast %parallel_loop3A_883 : f32 to vector<16xf32>
      %parallel_loop3A_885 = arith.subf %parallel_loop3A_882, %parallel_loop3A_884 : vector<16xf32>
      %parallel_loop3A_886 = arith.mulf %parallel_loop3A_885, %parallel_loop3A_879 : vector<16xf32>
      %parallel_loop3A_887 = arith.constant 0.199777111 : f32
      %parallel_loop3A_888 = vector.broadcast %parallel_loop3A_887 : f32 to vector<16xf32>
      %parallel_loop3A_889 = arith.addf %parallel_loop3A_886, %parallel_loop3A_888 : vector<16xf32>
      %parallel_loop3A_890 = arith.mulf %parallel_loop3A_889, %parallel_loop3A_879 : vector<16xf32>
      %parallel_loop3A_891 = arith.constant 0.333329499 : f32
      %parallel_loop3A_892 = vector.broadcast %parallel_loop3A_891 : f32 to vector<16xf32>
      %parallel_loop3A_893 = arith.subf %parallel_loop3A_890, %parallel_loop3A_892 : vector<16xf32>
      %parallel_loop3A_894 = arith.mulf %parallel_loop3A_893, %parallel_loop3A_879 : vector<16xf32>
      %parallel_loop3A_895 = arith.mulf %parallel_loop3A_894, %parallel_loop3A_878 : vector<16xf32>
      %parallel_loop3A_896 = arith.addf %parallel_loop3A_895, %parallel_loop3A_878 : vector<16xf32>
      %parallel_loop3A_897 = arith.constant 0.785398185 : f32
      %parallel_loop3A_898 = vector.broadcast %parallel_loop3A_897 : f32 to vector<16xf32>
      %parallel_loop3A_899 = arith.addf %parallel_loop3A_896, %parallel_loop3A_898 : vector<16xf32>
      %parallel_loop3A_900 = arith.select %parallel_loop3A_870, %parallel_loop3A_899, %parallel_loop3A_896 : vector<16xi1>, vector<16xf32>
      %parallel_loop3A_901 = arith.cmpf ogt, %parallel_loop3A_861, %parallel_loop3A_860 : vector<16xf32>
      %parallel_loop3A_902 = arith.constant 1.57079637 : f32
      %parallel_loop3A_903 = vector.broadcast %parallel_loop3A_902 : f32 to vector<16xf32>
      %parallel_loop3A_904 = arith.subf %parallel_loop3A_903, %parallel_loop3A_900 : vector<16xf32>
      %parallel_loop3A_905 = arith.select %parallel_loop3A_901, %parallel_loop3A_904, %parallel_loop3A_900 : vector<16xi1>, vector<16xf32>
      %parallel_loop3A_906 = arith.constant 0.000000e+00 : f32
      %parallel_loop3A_907 = vector.broadcast %parallel_loop3A_906 : f32 to vector<16xf32>
      %parallel_loop3A_908 = arith.cmpf olt, %parallel_loop3A_859, %parallel_loop3A_907 : vector<16xf32>
      %parallel_loop3A_909 = arith.constant 3.14159274 : f32
      %parallel_loop3A_910 = vector.broadcast %parallel_loop3A_909 : f32 to vector<16xf32>
      %parallel_loop3A_911 = arith.subf %parallel_loop3A_910, %parallel_loop3A_905 : vector<16xf32>
      %parallel_loop3A_912 = arith.select %parallel_loop3A_908, %parallel_loop3A_911, %parallel_loop3A_905 : vector<16xi1>, vector<16xf32>
      %parallel_loop3A_913 = arith.constant 0.000000e+00 : f32
      %parallel_loop3A_914 = vector.broadcast %parallel_loop3A_913 : f32 to vector<16xf32>
      %parallel_loop3A_915 = arith.cmpf olt, %parallel_loop3A_858, %parallel_loop3A_914 : vector<16xf32>
      %parallel_loop3A_916 = arith.constant 0.000000e+00 : f32
      %parallel_loop3A_917 = vector.broadcast %parallel_loop3A_916 : f32 to vector<16xf32>
      %parallel_loop3A_918 = arith.subf %parallel_loop3A_917, %parallel_loop3A_912 : vector<16xf32>
      %parallel_loop3A_919 = arith.select %parallel_loop3A_915, %parallel_loop3A_918, %parallel_loop3A_912 : vector<16xi1>, vector<16xf32>
      %parallel_loop3A_920 = arith.constant 1.57079637 : f32
      %parallel_loop3A_921 = vector.broadcast %parallel_loop3A_920 : f32 to vector<16xf32>
      %parallel_loop3A_922 = arith.mulf %parallel_loop3A_857, %parallel_loop3A_921 : vector<16xf32>
      %parallel_loop3A_923 = arith.addf %parallel_loop3A_919, %parallel_loop3A_922 : vector<16xf32>
      %parallel_loop3A_924 = arith.subf %parallel_loop3A_752, %parallel_loop3A_854 : vector<16xf32>
      %parallel_loop3A_925 = math.exp %parallel_loop3A_924 : vector<16xf32>
      %parallel_loop3A_926 = arith.subf %parallel_loop3A_757, %parallel_loop3A_854 : vector<16xf32>
      %parallel_loop3A_927 = math.exp %parallel_loop3A_926 : vector<16xf32>
      %parallel_loop3A_928 = arith.addf %parallel_loop3A_925, %parallel_loop3A_927 : vector<16xf32>
      %parallel_loop3A_929 = arith.subf %parallel_loop3A_762, %parallel_loop3A_854 : vector<16xf32>
      %parallel_loop3A_930 = math.exp %parallel_loop3A_929 : vector<16xf32>
      %parallel_loop3A_931 = arith.addf %parallel_loop3A_928, %parallel_loop3A_930 : vector<16xf32>
      %parallel_loop3A_932 = arith.subf %parallel_loop3A_767, %parallel_loop3A_854 : vector<16xf32>
      %parallel_loop3A_933 = math.exp %parallel_loop3A_932 : vector<16xf32>
      %parallel_loop3A_934 = arith.addf %parallel_loop3A_931, %parallel_loop3A_933 : vector<16xf32>
      %parallel_loop3A_935 = arith.constant 1.000000e+00 : f32
      %parallel_loop3A_936 = vector.broadcast %parallel_loop3A_935 : f32 to vector<16xf32>
      %parallel_loop3A_937 = arith.divf %parallel_loop3A_936, %parallel_loop3A_934 : vector<16xf32>
      %parallel_loop3A_938 = arith.constant 1.000000e+00 : f32
      %parallel_loop3A_939 = arith.constant 0.000000e+00 : f32
      %parallel_loop3A_940 = vector.broadcast %parallel_loop3A_938 : f32 to vector<16xf32>
      %parallel_loop3A_941 = vector.broadcast %parallel_loop3A_939 : f32 to vector<16xf32>
      %parallel_loop3A_942 = arith.select %parallel_loop3A_802, %parallel_loop3A_940, %parallel_loop3A_941 : vector<16xi1>, vector<16xf32>
      %parallel_loop3A_943 = arith.mulf %parallel_loop3A_811, %parallel_loop3A_942 : vector<16xf32>
      %parallel_loop3A_944 = arith.mulf %parallel_loop3A_815, %parallel_loop3A_942 : vector<16xf32>
      %parallel_loop3A_945 = arith.mulf %parallel_loop3A_692, %parallel_loop3A_942 : vector<16xf32>
      %parallel_loop3A_946 = arith.mulf %parallel_loop3A_822, %parallel_loop3A_942 : vector<16xf32>
      %parallel_loop3A_947 = arith.mulf %parallel_loop3A_829, %parallel_loop3A_942 : vector<16xf32>
      %parallel_loop3A_948 = arith.mulf %parallel_loop3A_836, %parallel_loop3A_942 : vector<16xf32>
      %parallel_loop3A_949 = arith.mulf %parallel_loop3A_923, %parallel_loop3A_942 : vector<16xf32>
      %parallel_loop3A_950 = arith.mulf %parallel_loop3A_937, %parallel_loop3A_942 : vector<16xf32>
      %parallel_loop3A_951 = arith.mulf %parallel_loop3A_807, %parallel_loop3A_942 : vector<16xf32>
      %parallel_loop3A_952 = arith.constant 0 : i32
      %parallel_loop3A_953 = arith.addi %parallel_loop3A_952, %parallel_loop3A_642 : i32
      %parallel_loop3A_954 = arith.index_cast %parallel_loop3A_953 : i32 to index
      %parallel_loop3A_955 = tpu.vector_load %arg9[%parallel_loop3A_954] {strides = array<i32>} : memref<22608xf32, #tpu.memory_space<vmem>>, vector<16xf32>,
      %parallel_loop3A_956 = vector.shape_cast %parallel_loop3A_955 : vector<16xf32> to vector<16xf32>
      %parallel_loop3A_957 = vector.shape_cast %parallel_loop3A_943 : vector<16xf32> to vector<16xf32>
      tpu.vector_store %arg9[%parallel_loop3A_954], %parallel_loop3A_957 {strides = array<i32>} : memref<22608xf32, #tpu.memory_space<vmem>>, vector<16xf32>,
      %parallel_loop3A_958 = arith.constant 2512 : i32
      %parallel_loop3A_959 = arith.addi %parallel_loop3A_958, %parallel_loop3A_642 : i32
      %parallel_loop3A_960 = arith.index_cast %parallel_loop3A_959 : i32 to index
      %parallel_loop3A_961 = tpu.vector_load %arg9[%parallel_loop3A_960] {strides = array<i32>} : memref<22608xf32, #tpu.memory_space<vmem>>, vector<16xf32>,
      %parallel_loop3A_962 = vector.shape_cast %parallel_loop3A_961 : vector<16xf32> to vector<16xf32>
      %parallel_loop3A_963 = vector.shape_cast %parallel_loop3A_944 : vector<16xf32> to vector<16xf32>
      tpu.vector_store %arg9[%parallel_loop3A_960], %parallel_loop3A_963 {strides = array<i32>} : memref<22608xf32, #tpu.memory_space<vmem>>, vector<16xf32>,
      %parallel_loop3A_964 = arith.constant 5024 : i32
      %parallel_loop3A_965 = arith.addi %parallel_loop3A_964, %parallel_loop3A_642 : i32
      %parallel_loop3A_966 = arith.index_cast %parallel_loop3A_965 : i32 to index
      %parallel_loop3A_967 = tpu.vector_load %arg9[%parallel_loop3A_966] {strides = array<i32>} : memref<22608xf32, #tpu.memory_space<vmem>>, vector<16xf32>,
      %parallel_loop3A_968 = vector.shape_cast %parallel_loop3A_967 : vector<16xf32> to vector<16xf32>
      %parallel_loop3A_969 = vector.shape_cast %parallel_loop3A_945 : vector<16xf32> to vector<16xf32>
      tpu.vector_store %arg9[%parallel_loop3A_966], %parallel_loop3A_969 {strides = array<i32>} : memref<22608xf32, #tpu.memory_space<vmem>>, vector<16xf32>,
      %parallel_loop3A_970 = arith.constant 7536 : i32
      %parallel_loop3A_971 = arith.addi %parallel_loop3A_970, %parallel_loop3A_642 : i32
      %parallel_loop3A_972 = arith.index_cast %parallel_loop3A_971 : i32 to index
      %parallel_loop3A_973 = tpu.vector_load %arg9[%parallel_loop3A_972] {strides = array<i32>} : memref<22608xf32, #tpu.memory_space<vmem>>, vector<16xf32>,
      %parallel_loop3A_974 = vector.shape_cast %parallel_loop3A_973 : vector<16xf32> to vector<16xf32>
      %parallel_loop3A_975 = vector.shape_cast %parallel_loop3A_946 : vector<16xf32> to vector<16xf32>
      tpu.vector_store %arg9[%parallel_loop3A_972], %parallel_loop3A_975 {strides = array<i32>} : memref<22608xf32, #tpu.memory_space<vmem>>, vector<16xf32>,
      %parallel_loop3A_976 = arith.constant 10048 : i32
      %parallel_loop3A_977 = arith.addi %parallel_loop3A_976, %parallel_loop3A_642 : i32
      %parallel_loop3A_978 = arith.index_cast %parallel_loop3A_977 : i32 to index
      %parallel_loop3A_979 = tpu.vector_load %arg9[%parallel_loop3A_978] {strides = array<i32>} : memref<22608xf32, #tpu.memory_space<vmem>>, vector<16xf32>,
      %parallel_loop3A_980 = vector.shape_cast %parallel_loop3A_979 : vector<16xf32> to vector<16xf32>
      %parallel_loop3A_981 = vector.shape_cast %parallel_loop3A_947 : vector<16xf32> to vector<16xf32>
      tpu.vector_store %arg9[%parallel_loop3A_978], %parallel_loop3A_981 {strides = array<i32>} : memref<22608xf32, #tpu.memory_space<vmem>>, vector<16xf32>,
      %parallel_loop3A_982 = arith.constant 12560 : i32
      %parallel_loop3A_983 = arith.addi %parallel_loop3A_982, %parallel_loop3A_642 : i32
      %parallel_loop3A_984 = arith.index_cast %parallel_loop3A_983 : i32 to index
      %parallel_loop3A_985 = tpu.vector_load %arg9[%parallel_loop3A_984] {strides = array<i32>} : memref<22608xf32, #tpu.memory_space<vmem>>, vector<16xf32>,
      %parallel_loop3A_986 = vector.shape_cast %parallel_loop3A_985 : vector<16xf32> to vector<16xf32>
      %parallel_loop3A_987 = vector.shape_cast %parallel_loop3A_948 : vector<16xf32> to vector<16xf32>
      tpu.vector_store %arg9[%parallel_loop3A_984], %parallel_loop3A_987 {strides = array<i32>} : memref<22608xf32, #tpu.memory_space<vmem>>, vector<16xf32>,
      %parallel_loop3A_988 = arith.constant 15072 : i32
      %parallel_loop3A_989 = arith.addi %parallel_loop3A_988, %parallel_loop3A_642 : i32
      %parallel_loop3A_990 = arith.index_cast %parallel_loop3A_989 : i32 to index
      %parallel_loop3A_991 = tpu.vector_load %arg9[%parallel_loop3A_990] {strides = array<i32>} : memref<22608xf32, #tpu.memory_space<vmem>>, vector<16xf32>,
      %parallel_loop3A_992 = vector.shape_cast %parallel_loop3A_991 : vector<16xf32> to vector<16xf32>
      %parallel_loop3A_993 = vector.shape_cast %parallel_loop3A_949 : vector<16xf32> to vector<16xf32>
      tpu.vector_store %arg9[%parallel_loop3A_990], %parallel_loop3A_993 {strides = array<i32>} : memref<22608xf32, #tpu.memory_space<vmem>>, vector<16xf32>,
      %parallel_loop3A_994 = arith.constant 17584 : i32
      %parallel_loop3A_995 = arith.addi %parallel_loop3A_994, %parallel_loop3A_642 : i32
      %parallel_loop3A_996 = arith.index_cast %parallel_loop3A_995 : i32 to index
      %parallel_loop3A_997 = tpu.vector_load %arg9[%parallel_loop3A_996] {strides = array<i32>} : memref<22608xf32, #tpu.memory_space<vmem>>, vector<16xf32>,
      %parallel_loop3A_998 = vector.shape_cast %parallel_loop3A_997 : vector<16xf32> to vector<16xf32>
      %parallel_loop3A_999 = vector.shape_cast %parallel_loop3A_950 : vector<16xf32> to vector<16xf32>
      tpu.vector_store %arg9[%parallel_loop3A_996], %parallel_loop3A_999 {strides = array<i32>} : memref<22608xf32, #tpu.memory_space<vmem>>, vector<16xf32>,
      %parallel_loop3A_1000 = arith.constant 20096 : i32
      %parallel_loop3A_1001 = arith.addi %parallel_loop3A_1000, %parallel_loop3A_642 : i32
      %parallel_loop3A_1002 = arith.index_cast %parallel_loop3A_1001 : i32 to index
      %parallel_loop3A_1003 = tpu.vector_load %arg9[%parallel_loop3A_1002] {strides = array<i32>} : memref<22608xf32, #tpu.memory_space<vmem>>, vector<16xf32>,
      %parallel_loop3A_1004 = vector.shape_cast %parallel_loop3A_1003 : vector<16xf32> to vector<16xf32>
      %parallel_loop3A_1005 = vector.shape_cast %parallel_loop3A_951 : vector<16xf32> to vector<16xf32>
      tpu.vector_store %arg9[%parallel_loop3A_1002], %parallel_loop3A_1005 {strides = array<i32>} : memref<22608xf32, #tpu.memory_space<vmem>>, vector<16xf32>,
    } {sc.loop_unroll_factor = 4 : i64, sc.parallel_access}
    %add3A_487 = arith.constant 0 : i32
    %add3A_488 = arith.addi %add3A_487, %select_n3A : i32
    %mul3A_489 = arith.constant 20000 : i32
    %mul3A_490 = arith.muli %add3A_488, %mul3A_489 : i32
    %add3A_491 = arith.addi %mul3A_490, %min3A_33 : i32
    %dma_start3A_492 = arith.constant 0 : i32
    %dma_start3A_493 = tpu.memref_slice %arg9[%dma_start3A_492] : memref<22608xf32, #tpu.memory_space<vmem>> -> memref<2512xf32, #tpu.memory_space<vmem>>
    %dma_start3A_494 = tpu.memref_slice %arg7[%add3A_491] : memref<720000xf32, #tpu.memory_space<hbm>> -> memref<2512xf32, #tpu.memory_space<hbm>>
    %dma_start3A_495 = tpu.memref_slice %arg7[%add3A_491] : memref<720000xf32, #tpu.memory_space<hbm>> -> memref<2512xf32, #tpu.memory_space<hbm>>
    %dma_start3A_496 = arith.constant 0 : i32
    %dma_start3A_497 = tpu.memref_slice %arg9[%dma_start3A_496] : memref<22608xf32, #tpu.memory_space<vmem>> -> memref<2512xf32, #tpu.memory_space<vmem>>
    tpu.enqueue_dma source(%dma_start3A_497 : memref<2512xf32, #tpu.memory_space<vmem>>) target(%dma_start3A_495 : memref<2512xf32, #tpu.memory_space<hbm>>) target_semaphore(%arg10 : memref<!tpu.dma_semaphore, #tpu.memory_space<semaphore_mem>>)
    %add3A_498 = arith.constant 4 : i32
    %add3A_499 = arith.addi %add3A_498, %select_n3A : i32
    %mul3A_500 = arith.constant 20000 : i32
    %mul3A_501 = arith.muli %add3A_499, %mul3A_500 : i32
    %add3A_502 = arith.addi %mul3A_501, %min3A_33 : i32
    %dma_start3A_503 = arith.constant 2512 : i32
    %dma_start3A_504 = tpu.memref_slice %arg9[%dma_start3A_503] : memref<22608xf32, #tpu.memory_space<vmem>> -> memref<2512xf32, #tpu.memory_space<vmem>>
    %dma_start3A_505 = tpu.memref_slice %arg7[%add3A_502] : memref<720000xf32, #tpu.memory_space<hbm>> -> memref<2512xf32, #tpu.memory_space<hbm>>
    %dma_start3A_506 = tpu.memref_slice %arg7[%add3A_502] : memref<720000xf32, #tpu.memory_space<hbm>> -> memref<2512xf32, #tpu.memory_space<hbm>>
    %dma_start3A_507 = arith.constant 2512 : i32
    %dma_start3A_508 = tpu.memref_slice %arg9[%dma_start3A_507] : memref<22608xf32, #tpu.memory_space<vmem>> -> memref<2512xf32, #tpu.memory_space<vmem>>
    tpu.enqueue_dma source(%dma_start3A_508 : memref<2512xf32, #tpu.memory_space<vmem>>) target(%dma_start3A_506 : memref<2512xf32, #tpu.memory_space<hbm>>) target_semaphore(%arg10 : memref<!tpu.dma_semaphore, #tpu.memory_space<semaphore_mem>>)
    %add3A_509 = arith.constant 8 : i32
    %add3A_510 = arith.addi %add3A_509, %select_n3A : i32
    %mul3A_511 = arith.constant 20000 : i32
    %mul3A_512 = arith.muli %add3A_510, %mul3A_511 : i32
    %add3A_513 = arith.addi %mul3A_512, %min3A_33 : i32
    %dma_start3A_514 = arith.constant 5024 : i32
    %dma_start3A_515 = tpu.memref_slice %arg9[%dma_start3A_514] : memref<22608xf32, #tpu.memory_space<vmem>> -> memref<2512xf32, #tpu.memory_space<vmem>>
    %dma_start3A_516 = tpu.memref_slice %arg7[%add3A_513] : memref<720000xf32, #tpu.memory_space<hbm>> -> memref<2512xf32, #tpu.memory_space<hbm>>
    %dma_start3A_517 = tpu.memref_slice %arg7[%add3A_513] : memref<720000xf32, #tpu.memory_space<hbm>> -> memref<2512xf32, #tpu.memory_space<hbm>>
    %dma_start3A_518 = arith.constant 5024 : i32
    %dma_start3A_519 = tpu.memref_slice %arg9[%dma_start3A_518] : memref<22608xf32, #tpu.memory_space<vmem>> -> memref<2512xf32, #tpu.memory_space<vmem>>
    tpu.enqueue_dma source(%dma_start3A_519 : memref<2512xf32, #tpu.memory_space<vmem>>) target(%dma_start3A_517 : memref<2512xf32, #tpu.memory_space<hbm>>) target_semaphore(%arg10 : memref<!tpu.dma_semaphore, #tpu.memory_space<semaphore_mem>>)
    %add3A_520 = arith.constant 12 : i32
    %add3A_521 = arith.addi %add3A_520, %select_n3A : i32
    %mul3A_522 = arith.constant 20000 : i32
    %mul3A_523 = arith.muli %add3A_521, %mul3A_522 : i32
    %add3A_524 = arith.addi %mul3A_523, %min3A_33 : i32
    %dma_start3A_525 = arith.constant 7536 : i32
    %dma_start3A_526 = tpu.memref_slice %arg9[%dma_start3A_525] : memref<22608xf32, #tpu.memory_space<vmem>> -> memref<2512xf32, #tpu.memory_space<vmem>>
    %dma_start3A_527 = tpu.memref_slice %arg7[%add3A_524] : memref<720000xf32, #tpu.memory_space<hbm>> -> memref<2512xf32, #tpu.memory_space<hbm>>
    %dma_start3A_528 = tpu.memref_slice %arg7[%add3A_524] : memref<720000xf32, #tpu.memory_space<hbm>> -> memref<2512xf32, #tpu.memory_space<hbm>>
    %dma_start3A_529 = arith.constant 7536 : i32
    %dma_start3A_530 = tpu.memref_slice %arg9[%dma_start3A_529] : memref<22608xf32, #tpu.memory_space<vmem>> -> memref<2512xf32, #tpu.memory_space<vmem>>
    tpu.enqueue_dma source(%dma_start3A_530 : memref<2512xf32, #tpu.memory_space<vmem>>) target(%dma_start3A_528 : memref<2512xf32, #tpu.memory_space<hbm>>) target_semaphore(%arg10 : memref<!tpu.dma_semaphore, #tpu.memory_space<semaphore_mem>>)
    %add3A_531 = arith.constant 16 : i32
    %add3A_532 = arith.addi %add3A_531, %select_n3A : i32
    %mul3A_533 = arith.constant 20000 : i32
    %mul3A_534 = arith.muli %add3A_532, %mul3A_533 : i32
    %add3A_535 = arith.addi %mul3A_534, %min3A_33 : i32
    %dma_start3A_536 = arith.constant 10048 : i32
    %dma_start3A_537 = tpu.memref_slice %arg9[%dma_start3A_536] : memref<22608xf32, #tpu.memory_space<vmem>> -> memref<2512xf32, #tpu.memory_space<vmem>>
    %dma_start3A_538 = tpu.memref_slice %arg7[%add3A_535] : memref<720000xf32, #tpu.memory_space<hbm>> -> memref<2512xf32, #tpu.memory_space<hbm>>
    %dma_start3A_539 = tpu.memref_slice %arg7[%add3A_535] : memref<720000xf32, #tpu.memory_space<hbm>> -> memref<2512xf32, #tpu.memory_space<hbm>>
    %dma_start3A_540 = arith.constant 10048 : i32
    %dma_start3A_541 = tpu.memref_slice %arg9[%dma_start3A_540] : memref<22608xf32, #tpu.memory_space<vmem>> -> memref<2512xf32, #tpu.memory_space<vmem>>
    tpu.enqueue_dma source(%dma_start3A_541 : memref<2512xf32, #tpu.memory_space<vmem>>) target(%dma_start3A_539 : memref<2512xf32, #tpu.memory_space<hbm>>) target_semaphore(%arg10 : memref<!tpu.dma_semaphore, #tpu.memory_space<semaphore_mem>>)
    %add3A_542 = arith.constant 20 : i32
    %add3A_543 = arith.addi %add3A_542, %select_n3A : i32
    %mul3A_544 = arith.constant 20000 : i32
    %mul3A_545 = arith.muli %add3A_543, %mul3A_544 : i32
    %add3A_546 = arith.addi %mul3A_545, %min3A_33 : i32
    %dma_start3A_547 = arith.constant 12560 : i32
    %dma_start3A_548 = tpu.memref_slice %arg9[%dma_start3A_547] : memref<22608xf32, #tpu.memory_space<vmem>> -> memref<2512xf32, #tpu.memory_space<vmem>>
    %dma_start3A_549 = tpu.memref_slice %arg7[%add3A_546] : memref<720000xf32, #tpu.memory_space<hbm>> -> memref<2512xf32, #tpu.memory_space<hbm>>
    %dma_start3A_550 = tpu.memref_slice %arg7[%add3A_546] : memref<720000xf32, #tpu.memory_space<hbm>> -> memref<2512xf32, #tpu.memory_space<hbm>>
    %dma_start3A_551 = arith.constant 12560 : i32
    %dma_start3A_552 = tpu.memref_slice %arg9[%dma_start3A_551] : memref<22608xf32, #tpu.memory_space<vmem>> -> memref<2512xf32, #tpu.memory_space<vmem>>
    tpu.enqueue_dma source(%dma_start3A_552 : memref<2512xf32, #tpu.memory_space<vmem>>) target(%dma_start3A_550 : memref<2512xf32, #tpu.memory_space<hbm>>) target_semaphore(%arg10 : memref<!tpu.dma_semaphore, #tpu.memory_space<semaphore_mem>>)
    %add3A_553 = arith.constant 24 : i32
    %add3A_554 = arith.addi %add3A_553, %select_n3A : i32
    %mul3A_555 = arith.constant 20000 : i32
    %mul3A_556 = arith.muli %add3A_554, %mul3A_555 : i32
    %add3A_557 = arith.addi %mul3A_556, %min3A_33 : i32
    %dma_start3A_558 = arith.constant 15072 : i32
    %dma_start3A_559 = tpu.memref_slice %arg9[%dma_start3A_558] : memref<22608xf32, #tpu.memory_space<vmem>> -> memref<2512xf32, #tpu.memory_space<vmem>>
    %dma_start3A_560 = tpu.memref_slice %arg7[%add3A_557] : memref<720000xf32, #tpu.memory_space<hbm>> -> memref<2512xf32, #tpu.memory_space<hbm>>
    %dma_start3A_561 = tpu.memref_slice %arg7[%add3A_557] : memref<720000xf32, #tpu.memory_space<hbm>> -> memref<2512xf32, #tpu.memory_space<hbm>>
    %dma_start3A_562 = arith.constant 15072 : i32
    %dma_start3A_563 = tpu.memref_slice %arg9[%dma_start3A_562] : memref<22608xf32, #tpu.memory_space<vmem>> -> memref<2512xf32, #tpu.memory_space<vmem>>
    tpu.enqueue_dma source(%dma_start3A_563 : memref<2512xf32, #tpu.memory_space<vmem>>) target(%dma_start3A_561 : memref<2512xf32, #tpu.memory_space<hbm>>) target_semaphore(%arg10 : memref<!tpu.dma_semaphore, #tpu.memory_space<semaphore_mem>>)
    %add3A_564 = arith.constant 28 : i32
    %add3A_565 = arith.addi %add3A_564, %select_n3A : i32
    %mul3A_566 = arith.constant 20000 : i32
    %mul3A_567 = arith.muli %add3A_565, %mul3A_566 : i32
    %add3A_568 = arith.addi %mul3A_567, %min3A_33 : i32
    %dma_start3A_569 = arith.constant 17584 : i32
    %dma_start3A_570 = tpu.memref_slice %arg9[%dma_start3A_569] : memref<22608xf32, #tpu.memory_space<vmem>> -> memref<2512xf32, #tpu.memory_space<vmem>>
    %dma_start3A_571 = tpu.memref_slice %arg7[%add3A_568] : memref<720000xf32, #tpu.memory_space<hbm>> -> memref<2512xf32, #tpu.memory_space<hbm>>
    %dma_start3A_572 = tpu.memref_slice %arg7[%add3A_568] : memref<720000xf32, #tpu.memory_space<hbm>> -> memref<2512xf32, #tpu.memory_space<hbm>>
    %dma_start3A_573 = arith.constant 17584 : i32
    %dma_start3A_574 = tpu.memref_slice %arg9[%dma_start3A_573] : memref<22608xf32, #tpu.memory_space<vmem>> -> memref<2512xf32, #tpu.memory_space<vmem>>
    tpu.enqueue_dma source(%dma_start3A_574 : memref<2512xf32, #tpu.memory_space<vmem>>) target(%dma_start3A_572 : memref<2512xf32, #tpu.memory_space<hbm>>) target_semaphore(%arg10 : memref<!tpu.dma_semaphore, #tpu.memory_space<semaphore_mem>>)
    %add3A_575 = arith.constant 32 : i32
    %add3A_576 = arith.addi %add3A_575, %select_n3A : i32
    %mul3A_577 = arith.constant 20000 : i32
    %mul3A_578 = arith.muli %add3A_576, %mul3A_577 : i32
    %add3A_579 = arith.addi %mul3A_578, %min3A_33 : i32
    %dma_start3A_580 = arith.constant 20096 : i32
    %dma_start3A_581 = tpu.memref_slice %arg9[%dma_start3A_580] : memref<22608xf32, #tpu.memory_space<vmem>> -> memref<2512xf32, #tpu.memory_space<vmem>>
    %dma_start3A_582 = tpu.memref_slice %arg7[%add3A_579] : memref<720000xf32, #tpu.memory_space<hbm>> -> memref<2512xf32, #tpu.memory_space<hbm>>
    %dma_start3A_583 = tpu.memref_slice %arg7[%add3A_579] : memref<720000xf32, #tpu.memory_space<hbm>> -> memref<2512xf32, #tpu.memory_space<hbm>>
    %dma_start3A_584 = arith.constant 20096 : i32
    %dma_start3A_585 = tpu.memref_slice %arg9[%dma_start3A_584] : memref<22608xf32, #tpu.memory_space<vmem>> -> memref<2512xf32, #tpu.memory_space<vmem>>
    tpu.enqueue_dma source(%dma_start3A_585 : memref<2512xf32, #tpu.memory_space<vmem>>) target(%dma_start3A_583 : memref<2512xf32, #tpu.memory_space<hbm>>) target_semaphore(%arg10 : memref<!tpu.dma_semaphore, #tpu.memory_space<semaphore_mem>>)
    %dma_wait3A_586 = arith.constant 0 : i32
    %dma_wait3A_587 = tpu.memref_slice %arg9[%dma_wait3A_586] : memref<22608xf32, #tpu.memory_space<vmem>> -> memref<2512xf32, #tpu.memory_space<vmem>>
    %dma_wait3A_588 = tpu.memref_slice %arg7[%add3A_491] : memref<720000xf32, #tpu.memory_space<hbm>> -> memref<2512xf32, #tpu.memory_space<hbm>>
    %dma_wait3A_589 = tpu.memref_slice %arg7[%add3A_491] : memref<720000xf32, #tpu.memory_space<hbm>> -> memref<2512xf32, #tpu.memory_space<hbm>>
    %dma_wait3A_590 = arith.constant 0 : i32
    %dma_wait3A_591 = tpu.memref_slice %arg9[%dma_wait3A_590] : memref<22608xf32, #tpu.memory_space<vmem>> -> memref<2512xf32, #tpu.memory_space<vmem>>
    tpu.wait_dma2 semaphore(%arg10 : memref<!tpu.dma_semaphore, #tpu.memory_space<semaphore_mem>>) src(%dma_wait3A_591 : memref<2512xf32, #tpu.memory_space<vmem>>) dst(%dma_wait3A_589 : memref<2512xf32, #tpu.memory_space<hbm>>)
    %dma_wait3A_592 = arith.constant 2512 : i32
    %dma_wait3A_593 = tpu.memref_slice %arg9[%dma_wait3A_592] : memref<22608xf32, #tpu.memory_space<vmem>> -> memref<2512xf32, #tpu.memory_space<vmem>>
    %dma_wait3A_594 = tpu.memref_slice %arg7[%add3A_502] : memref<720000xf32, #tpu.memory_space<hbm>> -> memref<2512xf32, #tpu.memory_space<hbm>>
    %dma_wait3A_595 = tpu.memref_slice %arg7[%add3A_502] : memref<720000xf32, #tpu.memory_space<hbm>> -> memref<2512xf32, #tpu.memory_space<hbm>>
    %dma_wait3A_596 = arith.constant 2512 : i32
    %dma_wait3A_597 = tpu.memref_slice %arg9[%dma_wait3A_596] : memref<22608xf32, #tpu.memory_space<vmem>> -> memref<2512xf32, #tpu.memory_space<vmem>>
    tpu.wait_dma2 semaphore(%arg10 : memref<!tpu.dma_semaphore, #tpu.memory_space<semaphore_mem>>) src(%dma_wait3A_597 : memref<2512xf32, #tpu.memory_space<vmem>>) dst(%dma_wait3A_595 : memref<2512xf32, #tpu.memory_space<hbm>>)
    %dma_wait3A_598 = arith.constant 5024 : i32
    %dma_wait3A_599 = tpu.memref_slice %arg9[%dma_wait3A_598] : memref<22608xf32, #tpu.memory_space<vmem>> -> memref<2512xf32, #tpu.memory_space<vmem>>
    %dma_wait3A_600 = tpu.memref_slice %arg7[%add3A_513] : memref<720000xf32, #tpu.memory_space<hbm>> -> memref<2512xf32, #tpu.memory_space<hbm>>
    %dma_wait3A_601 = tpu.memref_slice %arg7[%add3A_513] : memref<720000xf32, #tpu.memory_space<hbm>> -> memref<2512xf32, #tpu.memory_space<hbm>>
    %dma_wait3A_602 = arith.constant 5024 : i32
    %dma_wait3A_603 = tpu.memref_slice %arg9[%dma_wait3A_602] : memref<22608xf32, #tpu.memory_space<vmem>> -> memref<2512xf32, #tpu.memory_space<vmem>>
    tpu.wait_dma2 semaphore(%arg10 : memref<!tpu.dma_semaphore, #tpu.memory_space<semaphore_mem>>) src(%dma_wait3A_603 : memref<2512xf32, #tpu.memory_space<vmem>>) dst(%dma_wait3A_601 : memref<2512xf32, #tpu.memory_space<hbm>>)
    %dma_wait3A_604 = arith.constant 7536 : i32
    %dma_wait3A_605 = tpu.memref_slice %arg9[%dma_wait3A_604] : memref<22608xf32, #tpu.memory_space<vmem>> -> memref<2512xf32, #tpu.memory_space<vmem>>
    %dma_wait3A_606 = tpu.memref_slice %arg7[%add3A_524] : memref<720000xf32, #tpu.memory_space<hbm>> -> memref<2512xf32, #tpu.memory_space<hbm>>
    %dma_wait3A_607 = tpu.memref_slice %arg7[%add3A_524] : memref<720000xf32, #tpu.memory_space<hbm>> -> memref<2512xf32, #tpu.memory_space<hbm>>
    %dma_wait3A_608 = arith.constant 7536 : i32
    %dma_wait3A_609 = tpu.memref_slice %arg9[%dma_wait3A_608] : memref<22608xf32, #tpu.memory_space<vmem>> -> memref<2512xf32, #tpu.memory_space<vmem>>
    tpu.wait_dma2 semaphore(%arg10 : memref<!tpu.dma_semaphore, #tpu.memory_space<semaphore_mem>>) src(%dma_wait3A_609 : memref<2512xf32, #tpu.memory_space<vmem>>) dst(%dma_wait3A_607 : memref<2512xf32, #tpu.memory_space<hbm>>)
    %dma_wait3A_610 = arith.constant 10048 : i32
    %dma_wait3A_611 = tpu.memref_slice %arg9[%dma_wait3A_610] : memref<22608xf32, #tpu.memory_space<vmem>> -> memref<2512xf32, #tpu.memory_space<vmem>>
    %dma_wait3A_612 = tpu.memref_slice %arg7[%add3A_535] : memref<720000xf32, #tpu.memory_space<hbm>> -> memref<2512xf32, #tpu.memory_space<hbm>>
    %dma_wait3A_613 = tpu.memref_slice %arg7[%add3A_535] : memref<720000xf32, #tpu.memory_space<hbm>> -> memref<2512xf32, #tpu.memory_space<hbm>>
    %dma_wait3A_614 = arith.constant 10048 : i32
    %dma_wait3A_615 = tpu.memref_slice %arg9[%dma_wait3A_614] : memref<22608xf32, #tpu.memory_space<vmem>> -> memref<2512xf32, #tpu.memory_space<vmem>>
    tpu.wait_dma2 semaphore(%arg10 : memref<!tpu.dma_semaphore, #tpu.memory_space<semaphore_mem>>) src(%dma_wait3A_615 : memref<2512xf32, #tpu.memory_space<vmem>>) dst(%dma_wait3A_613 : memref<2512xf32, #tpu.memory_space<hbm>>)
    %dma_wait3A_616 = arith.constant 12560 : i32
    %dma_wait3A_617 = tpu.memref_slice %arg9[%dma_wait3A_616] : memref<22608xf32, #tpu.memory_space<vmem>> -> memref<2512xf32, #tpu.memory_space<vmem>>
    %dma_wait3A_618 = tpu.memref_slice %arg7[%add3A_546] : memref<720000xf32, #tpu.memory_space<hbm>> -> memref<2512xf32, #tpu.memory_space<hbm>>
    %dma_wait3A_619 = tpu.memref_slice %arg7[%add3A_546] : memref<720000xf32, #tpu.memory_space<hbm>> -> memref<2512xf32, #tpu.memory_space<hbm>>
    %dma_wait3A_620 = arith.constant 12560 : i32
    %dma_wait3A_621 = tpu.memref_slice %arg9[%dma_wait3A_620] : memref<22608xf32, #tpu.memory_space<vmem>> -> memref<2512xf32, #tpu.memory_space<vmem>>
    tpu.wait_dma2 semaphore(%arg10 : memref<!tpu.dma_semaphore, #tpu.memory_space<semaphore_mem>>) src(%dma_wait3A_621 : memref<2512xf32, #tpu.memory_space<vmem>>) dst(%dma_wait3A_619 : memref<2512xf32, #tpu.memory_space<hbm>>)
    %dma_wait3A_622 = arith.constant 15072 : i32
    %dma_wait3A_623 = tpu.memref_slice %arg9[%dma_wait3A_622] : memref<22608xf32, #tpu.memory_space<vmem>> -> memref<2512xf32, #tpu.memory_space<vmem>>
    %dma_wait3A_624 = tpu.memref_slice %arg7[%add3A_557] : memref<720000xf32, #tpu.memory_space<hbm>> -> memref<2512xf32, #tpu.memory_space<hbm>>
    %dma_wait3A_625 = tpu.memref_slice %arg7[%add3A_557] : memref<720000xf32, #tpu.memory_space<hbm>> -> memref<2512xf32, #tpu.memory_space<hbm>>
    %dma_wait3A_626 = arith.constant 15072 : i32
    %dma_wait3A_627 = tpu.memref_slice %arg9[%dma_wait3A_626] : memref<22608xf32, #tpu.memory_space<vmem>> -> memref<2512xf32, #tpu.memory_space<vmem>>
    tpu.wait_dma2 semaphore(%arg10 : memref<!tpu.dma_semaphore, #tpu.memory_space<semaphore_mem>>) src(%dma_wait3A_627 : memref<2512xf32, #tpu.memory_space<vmem>>) dst(%dma_wait3A_625 : memref<2512xf32, #tpu.memory_space<hbm>>)
    %dma_wait3A_628 = arith.constant 17584 : i32
    %dma_wait3A_629 = tpu.memref_slice %arg9[%dma_wait3A_628] : memref<22608xf32, #tpu.memory_space<vmem>> -> memref<2512xf32, #tpu.memory_space<vmem>>
    %dma_wait3A_630 = tpu.memref_slice %arg7[%add3A_568] : memref<720000xf32, #tpu.memory_space<hbm>> -> memref<2512xf32, #tpu.memory_space<hbm>>
    %dma_wait3A_631 = tpu.memref_slice %arg7[%add3A_568] : memref<720000xf32, #tpu.memory_space<hbm>> -> memref<2512xf32, #tpu.memory_space<hbm>>
    %dma_wait3A_632 = arith.constant 17584 : i32
    %dma_wait3A_633 = tpu.memref_slice %arg9[%dma_wait3A_632] : memref<22608xf32, #tpu.memory_space<vmem>> -> memref<2512xf32, #tpu.memory_space<vmem>>
    tpu.wait_dma2 semaphore(%arg10 : memref<!tpu.dma_semaphore, #tpu.memory_space<semaphore_mem>>) src(%dma_wait3A_633 : memref<2512xf32, #tpu.memory_space<vmem>>) dst(%dma_wait3A_631 : memref<2512xf32, #tpu.memory_space<hbm>>)
    %dma_wait3A_634 = arith.constant 20096 : i32
    %dma_wait3A_635 = tpu.memref_slice %arg9[%dma_wait3A_634] : memref<22608xf32, #tpu.memory_space<vmem>> -> memref<2512xf32, #tpu.memory_space<vmem>>
    %dma_wait3A_636 = tpu.memref_slice %arg7[%add3A_579] : memref<720000xf32, #tpu.memory_space<hbm>> -> memref<2512xf32, #tpu.memory_space<hbm>>
    %dma_wait3A_637 = tpu.memref_slice %arg7[%add3A_579] : memref<720000xf32, #tpu.memory_space<hbm>> -> memref<2512xf32, #tpu.memory_space<hbm>>
    %dma_wait3A_638 = arith.constant 20096 : i32
    %dma_wait3A_639 = tpu.memref_slice %arg9[%dma_wait3A_638] : memref<22608xf32, #tpu.memory_space<vmem>> -> memref<2512xf32, #tpu.memory_space<vmem>>
    tpu.wait_dma2 semaphore(%arg10 : memref<!tpu.dma_semaphore, #tpu.memory_space<semaphore_mem>>) src(%dma_wait3A_639 : memref<2512xf32, #tpu.memory_space<vmem>>) dst(%dma_wait3A_637 : memref<2512xf32, #tpu.memory_space<hbm>>)
    return
  }
}

</mosaic_0001>

<sc_bundles>
// kernel: kernel.3.cloned.1.call-start
scs
__scs_entry_jumppad:
0x0: {  	(pc) =	sbr.rel $0x88, $3  }
0x1: {  	(tag) =	ssettag $0x0;
	lr =	simm.s32 $0x1  }
0x2: {  	[smem:$0x3F9C] =	sst lr;
	_ =	strace $0xD0000000  }
0x3: {  	_ = 	snop  }
0x4: {  	_ = 	snop  }
0x5: {  	_ = 	snop  }
0x6: {  	_ = 	snop  }
0x7: {  	_ = 	snop  }
__scs_overlays_trampoline_lowered:
0x8: {  	[smem:$0x3FAB] =	sst s0  }
0x9: {  	[smem:$0x3FAC] =	sst s1  }
0xa: {  	[smem:$0x3FAD] =	sst s2  }
0xb: {  	[smem:$0x3FAE] =	sst s3  }
0xc: {  	[smem:$0x3FAF] =	sst s4  }
0xd: {  	[smem:$0x3FB0] =	sst s5  }
0xe: {  	[smem:$0x3FB1] =	sst s6  }
0xf: {  	[smem:$0x3FB2] =	sst s7  }
0x10: {  	[smem:$0x3FB3] =	sst s8  }
0x11: {  	[smem:$0x3FB4] =	sst s9;
	s0 =	simm.s32 @!p0 $0x0  }
0x12: {  	s1 =	sld [smem:$0x3F9A];
	s0 =	simm.s32 @p0 $0x1  }
0x13: {  	[smem:$0x3FB5] =	sst s0;
	s0 =	simm.s32 @!p1 $0x0  }
0x14: {  	s2 =	sld [smem:$0x3F99];
	s0 =	simm.s32 @p1 $0x1  }
0x15: {  	[smem:$0x3FB6] =	sst s0;
	s0 =	simm.s32 @!p2 $0x0  }
0x16: {  	s3 =	sld [smem:$0x3FDB];
	s0 =	simm.s32 @p2 $0x1  }
0x17: {  	s4 =	simm.s32 $0x1BF5;
	[smem:$0x3FB8] =	sst s0  }
0x18: {  	s0 =	sld [smem:$0x3F9B];
	_ =	swait.ge [sflag:s4], $0x0  }
0x19: {  	s7 =	sld [smem:$0x3F9C]  }
0x1a: {  	s8 =	sadd.s32 $0xFFFFE003, lr  }
0x1b: {  	s9 =	sadd.s32 $0xFFFFFEF7, lr;
	s5 =	simm.s32 $0xFFFFFFFF;
	p2 =	slt.u32 s8, $0xFFFFF086  }
0x1c: {  	p1 =	slt.u32 s9, $0xF7A;
	s5 =	simm.s32 @!p2 $0x0  }
0x1d: {  	s5 =	simm.s32 @p1 $0x1;
	p0 =	seq.s32 s7, s2  }
0x1e: {  	s7 =	smul.u32 @!p0 $0xF7A, s2;
	p2 =	seq.s32 @!p0 s5, $0x0  }
0x1f: {  	s9 =	smul.u32 $0xF7A, s1;
	s8 =	simm.s32 @!p0 $0x1BF5;
	p2 =	por !p2, p0  }
0x20: {  	[sflag:s8] =	ssyncset.s32 @!p0 $0xFFFFF086;
	s6 =	sadd.s32 @!p0 s3, s7;
	s7 =	simm.s32 @!p0 $0x108  }
0x21: {  	s3 =	sadd.s32 s3, s9;
	s6 =	sadd.s32 @!p0 $0x88, s6;
	s7 =	simm.s32 @p2 $0x1082  }
0x22: {  	[simem:s7], [sflag:s8] =	dma.local @!p0 [hbm:s6], $0xF7A  }
0x23: {  	s9 =	sor.u32 $0xD0000000, s2;
	s6 =	simm.s32 $0x108;
	_ =	swait.ge @!p0 [sflag:s8], $0x0  }
0x24: {  	s3 =	sadd.s32 $0x88, s3;
	s6 =	simm.s32 @!p1 $0x1082;
	[sflag:s4] =	ssyncset.s32 $0xFFFFF086  }
0x25: {  	[simem:s6], [sflag:s4] =	dma.local [hbm:s3], $0xF7A  }
0x26: {  	[smem:$0x3F9C] =	sst s1;
	(tag) =	ssettag s2;
	_ =	strace s9  }
0x27: {  	s1 =	sld [smem:$0x3FAC]  }
0x28: {  	s2 =	sld [smem:$0x3FAD]  }
0x29: {  	s4 =	sld [smem:$0x3FAF]  }
0x2a: {  	p0 =	seq.s32 s5, $0x0;
	s5 =	sld [smem:$0x3FB0]  }
0x2b: {  	s6 =	sld [smem:$0x3FB1]  }
0x2c: {  	s7 =	sld [smem:$0x3FB2]  }
0x2d: {  	s3 =	simm.s32 $0x108;
	s8 =	sld [smem:$0x3FB3]  }
0x2e: {  	s3 =	simm.s32 @!p0 $0x1082;
	s9 =	sld [smem:$0x3FB4]  }
0x2f: {  	lr =	sadd.s32 s0, s3;
	s0 =	sld [smem:$0x3FAB]  }
0x30: {  	s3 =	sld [smem:$0x3FAE]  }
0x31: {  	[smem:$0x3FB7] =	sst s10  }
0x32: {  	s10 =	sld [smem:$0x3FB5];
	_ =	sdelay $0x3  }
0x33: {  	p0 =	seq.s32 s10, $0x1;
	s10 =	sld [smem:$0x3FB7];
	_ =	sdelay $0x3  }
0x34: {  	[smem:$0x3FB7] =	sst s10  }
0x35: {  	s10 =	sld [smem:$0x3FB6];
	_ =	sdelay $0x3  }
0x36: {  	p1 =	seq.s32 s10, $0x1;
	s10 =	sld [smem:$0x3FB7];
	_ =	sdelay $0x3  }
0x37: {  	[smem:$0x3FB7] =	sst s10  }
0x38: {  	s10 =	sld [smem:$0x3FB8]  }
0x39: {  	_ = 	snop;
	(pc) =	sbr.ind lr, $3  }
0x3a: {  	_ = 	snop  }
0x3b: {  	_ = 	snop  }
0x3c: {  	p2 =	seq.s32 s10, $0x1;
	s10 =	sld [smem:$0x3FB7]  }
0x3d: {  	_ =	shalt  }
0x3e: {  	_ =	shalt  }
0x3f: {  	_ =	shalt  }
0x40: {  	_ =	shalt  }
0x41: {  	_ =	shalt  }
0x42: {  	_ =	shalt  }
0x43: {  	_ =	shalt  }
0x44: {  	_ =	shalt  }
0x45: {  	_ =	shalt  }
0x46: {  	_ =	shalt  }
0x47: {  	_ =	shalt  }
0x48: {  	_ =	shalt  }
0x49: {  	_ =	shalt  }
0x4a: {  	_ =	shalt  }
0x4b: {  	_ =	shalt  }
0x4c: {  	_ =	shalt  }
0x4d: {  	_ =	shalt  }
0x4e: {  	_ =	shalt  }
0x4f: {  	_ =	shalt  }
0x50: {  	_ =	shalt  }
0x51: {  	_ =	shalt  }
0x52: {  	_ =	shalt  }
0x53: {  	_ =	shalt  }
0x54: {  	_ =	shalt  }
0x55: {  	_ =	shalt  }
0x56: {  	_ =	shalt  }
0x57: {  	_ =	shalt  }
0x58: {  	_ =	shalt  }
0x59: {  	_ =	shalt  }
0x5a: {  	_ =	shalt  }
0x5b: {  	_ =	shalt  }
0x5c: {  	_ =	shalt  }
0x5d: {  	_ =	shalt  }
0x5e: {  	_ =	shalt  }
0x5f: {  	_ =	shalt  }
0x60: {  	_ =	shalt  }
0x61: {  	_ =	shalt  }
0x62: {  	_ =	shalt  }
0x63: {  	_ =	shalt  }
0x64: {  	_ =	shalt  }
0x65: {  	_ =	shalt  }
0x66: {  	_ =	shalt  }
0x67: {  	_ =	shalt  }
0x68: {  	_ =	shalt  }
0x69: {  	_ =	shalt  }
0x6a: {  	_ =	shalt  }
0x6b: {  	_ =	shalt  }
0x6c: {  	_ =	shalt  }
0x6d: {  	_ =	shalt  }
0x6e: {  	_ =	shalt  }
0x6f: {  	_ =	shalt  }
0x70: {  	_ =	shalt  }
0x71: {  	_ =	shalt  }
0x72: {  	_ =	shalt  }
0x73: {  	_ =	shalt  }
0x74: {  	_ =	shalt  }
0x75: {  	_ =	shalt  }
0x76: {  	_ =	shalt  }
0x77: {  	_ =	shalt  }
0x78: {  	_ =	shalt  }
0x79: {  	_ =	shalt  }
0x7a: {  	_ =	shalt  }
0x7b: {  	_ =	shalt  }
0x7c: {  	_ =	shalt  }
0x7d: {  	_ =	shalt  }
0x7e: {  	_ =	shalt  }
0x7f: {  	_ =	shalt  }
0x80: {  	_ =	shalt  }
0x81: {  	_ =	shalt  }
0x82: {  	_ =	shalt  }
0x83: {  	_ =	shalt  }
0x84: {  	_ =	shalt  }
0x85: {  	_ =	shalt  }
0x86: {  	_ =	shalt  }
0x87: {  	_ =	shalt  }
.Lfunc_end0:
.L_simem_size_0:
called_computation_lowered:
.L_overlay_start_0:
0x88: {  	s2 =	sld [smem:$0x3FD9]  }
0x89: {  	s3 =	sld [smem:$0x3FFE];
	_ =	sdelay $0x1  }
0x8a: {  	s1 =	srdreg.scid  }
0x8b: {  	s0 =	sand.u32 $0x1, s1  }
0x8c: {  	s17 =	sshll.u32 s0, $0xA;
	s2 =	sadd.s32 s3, s2  }
0x8d: {  	s2 =	sadd.s32 s2, s17  }
0x8e: {  	[smem:$0x3FC3] =	sst s2  }
0x8f: {  	_ = 	snop  }
0x90: {  	s2 =	sld [smem:$0x3FD0];
	(tm) =	ssettm $0x1  }
0x91: {  	s18 =	sld [smem:$0x3FFB];
	_ =	sdelay $0x3  }
0x92: {  	_ =	strace s18  }
0x93: {  	s3 =	sld [smem:$0x3FFC];
	_ =	sdelay $0x3  }
0x94: {  	_ =	strace s3  }
0x95: {  	s3 =	sld [smem:$0x3FFD];
	_ =	sdelay $0x3  }
0x96: {  	_ =	strace s3  }
0x97: {  	_ =	strace $0x8FFFFFFF  }
0x98: {  	s19 =	sld [smem:$0x3FDB];
	_ =	sdelay $0x1  }
0x99: {  	s4 =	simm.s32 $_scs_section_size  }
0x9a: {  	s5 =	simm.s32 $_size__tile_overlayer_lowered;
	s6 =	simm.s32 $_tile_overlayer_lowered  }
0x9b: {  	s22 =	simm.s32 $0x1BFF;
	s21 =	sshll.u32 s6, $0x1;
	s3 =	sadd.s32 s4, s19  }
0x9c: {  	s7 =	simm.s32 $0x0;
	s20 =	sshll.u32 s5, $0x1;
	s5 =	sadd.s32 s21, s3  }
0x9d: {  	[timem:s7], [sflag:s22] =	dma.local [hbm:s5], s20  }
0x9e: {  	_ =	swait.ge [sflag:s22], s20  }
0x9f: {  	s4 =	ssub.s32 $0x0, s20;
	[sflag:s22] =	ssyncset.done $0x0  }
0xa0: {  	[sflag:s22] =	ssyncadd.s32 s4;
	_ =	sdelay $0x1  }
0xa1: {  	s23 =	simm.s32 $0x1B8B  }
0xa2: {  	_ =	swait.ge [sflag:s23], $0x1  }
0xa3: {  	[sflag:s23] =	ssyncset.done $0x0  }
0xa4: {  	s25 =	simm.s32 $0x1B8E;
	s24 =	sld [smem:$0x3FFE];
	[sflag:s23] =	ssyncadd.s32 $0xFFFFFFFF  }
0xa5: {  	s26 =	simm.s32 $execute0_lowered;
	[smem:$0x3FD2] =	sst s25  }
0xa6: {  	s5 =	sshll.u32 s26, $0x1;
	_ =	strace $0x80000046;
	[dreg:$0x1] =	wrdreg $0xFFFFFFFF  }
0xa7: {  	s28 =	simm.s32 $_size_execute0_lowered;
	s3 =	sadd.s32 s3, s5;
	[dreg:$0x0] =	wrdreg $0x0  }
0xa8: {  	s5 =	sshll.u32 s28, $0x1;
	[dreg:$0x2] =	wrdreg s3  }
0xa9: {  	[dreg:$0x3] =	wrdreg s5  }
0xaa: {  	[dreg:$0x4] =	wrdreg $0xC0  }
0xab: {  	_ =	task [dreg:s7], $0x5FFFF  }
0xac: {  	[dreg:$0x1] =	wrdreg $0xFFFFFFFF  }
0xad: {  	[dreg:$0x0] =	wrdreg $0x60  }
0xae: {  	[dreg:$0x2] =	wrdreg s24  }
0xaf: {  	[dreg:$0x3] =	wrdreg s2  }
0xb0: {  	[dreg:$0x4] =	wrdreg $0x9  }
0xb1: {  	_ =	task.clear_ibuf [dreg:s7], $0x5FFFF;
	_ =	strace $0x90000046  }
0xb2: {  	s29 =	simm.s32 $0x9;
	_ =	strace $0x80000048  }
0xb3: {  	_ =	swait.ge [sflag:s29], $0x1  }
0xb4: {  	[sflag:s29] =	ssyncadd.s32 $0xFFFFFFFF  }
0xb5: {  	_ =	strace $0x90000048  }
0xb6: {  	_ =	sfence  }
0xb7: {  	s30 =	sld [smem:$0x0];
	_ =	sdelay $0x2  }
0xb8: {  	s31 =	sshll.u32 s1, $0xD;
	s1 =	sshrl.u32 s1, $0x2  }
0xb9: {  	s3 =	sand.u32 $0x4000, s31;
	s1 =	sadd.s32 s1, s30  }
0xba: {  	s0 =	sor.u32 s3, s0;
	s1 =	sshll.u32 s1, $0x11  }
0xbb: {  	s0 =	sor.u32 s1, s0  }
0xbc: {  	s0 =	sadd.s32 $0x8F2B, s0  }
0xbd: {  	[sflag:s0] =	ssyncadd.remote.s32 $0x1  }
0xbe: {  	_ =	sfence.sel $0xFFFF  }
0xbf: {  	[dreg:$0x0] =	wrdreg $0xFFFFFFFF;
	(pc) =	sbr.abs _section_cstart, $3  }
0xc0: {  	[dreg:$0x1] =	wrdreg $0xFFFFFFFF  }
0xc1: {  	_ =	task.clear_ibuf [dreg:s7], $0x2FFFF;
	_ =	strace $0x9FFFFFFF  }
0xc2: {  	(tm) =	ssettm $0x7FFFFFFF  }
0xc3: {  	_ =	shalt  }
tec
execute0_lowered:
.L_overlay_start_1:
0x0: {  	(tag) =	ssettag $0x1  }
0x1: {  	s2 =	stileid.u32;
	s3 =	rddreg [dreg:$0x0]  }
0x2: {  	s0 =	srdreg.scid;
	s5 =	rddreg [dreg:$0x1];
	s4 =	sshrl.u32 s2, $0x2  }
0x3: {  	s1 =	sshll.u32 s2, $0x1;
	s0 =	sand.u32 $0x1, s0;
	s6 =	smul.u32 $0x9C40, s4  }
0x4: {  	s2 =	simm.s32 $0x0;
	s1 =	sand.u32 $0x6, s1;
	s7 =	smul.u32 $0x13880, s4  }
0x5: {  	s8 =	sadd.s32 $0xFA00, s3;
	s9 =	smul.u32 $0x4E20, s4;
	s1 =	sor.u32 s0, s1  }
0x6: {  	s10 =	sadd.s32 $0x1BE00, s3;
	s0 =	ssub.s32 $0x2, s0;
	s1 =	smul.u32 $0x9D0, s1  }
0x7: {  	[smem:$0x7FF] =	sst s2;
	s4 =	smul.u32 $0x27100, s4;
	s11 =	sshrl.u32 s0, $0x1  }
0x8: {  	_ =	strace $0x80000047;
	s0 =	ssub.s32 s0, s11;
	s1 =	smin.u32 s1, $0x4450  }
0x9: {  	s28 =	smax.u32 s0, $0x1;
	s6 =	sadd.s32 s6, s1;
	s7 =	sadd.s32 s7, s1  }
0xa: {  	s9 =	sadd.s32 s9, s1;
	s1 =	sadd.s32 s4, s1;
	s6 =	sshrl.u32 s6, $0x3  }
0xb: {  	s7 =	sshrl.u32 s7, $0x3;
	s9 =	sshrl.u32 s9, $0x3;
	s1 =	sshrl.u32 s1, $0x3  }
0xc: {  	s6 =	sadd.s32 s6, s3;
	s7 =	sadd.s32 s7, s3;
	s17 =	sadd.s32 s8, s9  }
0xd: {  	s18 =	sadd.s32 $0x2710, s9;
	s20 =	sadd.s32 s10, s9;
	[dreg:$0x3] =	wrdreg s17  }
0xe: {  	s12 =	sadd.s32 $0x4E20, s9;
	s13 =	sadd.s32 s8, s18;
	[dreg:$0xa] =	wrdreg s20  }
0xf: {  	s3 =	sadd.s32 $0x2AA00, s3;
	s15 =	sadd.s32 s8, s12;
	[dreg:$0x4] =	wrdreg s13  }
0x10: {  	s16 =	sadd.s32 $0x9C40, s9;
	s19 =	sadd.s32 $0xC00, s6;
	[dreg:$0x5] =	wrdreg s15  }
0x11: {  	s25 =	sadd.s32 $0xC350, s9;
	s6 =	sadd.s32 $0x15C4, s6;
	[dreg:$0x8] =	wrdreg s19  }
0x12: {  	s21 =	sadd.s32 s10, s18;
	s22 =	sadd.s32 s10, s12;
	[dreg:$0x9] =	wrdreg s6  }
0x13: {  	s24 =	sadd.s32 s10, s16;
	s26 =	sadd.s32 s10, s25;
	[dreg:$0xb] =	wrdreg s21  }
0x14: {  	s17 =	sadd.s32 s3, s9;
	s18 =	sadd.s32 s3, s18;
	[dreg:$0xc] =	wrdreg s22  }
0x15: {  	s13 =	sadd.s32 $0x7530, s9;
	[dreg:$0xe] =	wrdreg s24;
	s15 =	sadd.s32 s5, s1  }
0x16: {  	[dreg:$0xf] =	wrdreg s26;
	s19 =	sadd.s32 s3, s12;
	s21 =	sadd.s32 s3, s16  }
0x17: {  	s22 =	sadd.s32 s3, s25;
	s24 =	sadd.s32 $0x65C4, s7;
	s25 =	sadd.s32 $0x6F88, s7  }
0x18: {  	s26 =	sadd.s32 $0x794C, s7;
	s5 =	sadd.s32 $0xEA60, s17;
	s6 =	sadd.s32 $0x11170, s17  }
0x19: {  	s9 =	simm.s32 $0x0;
	s14 =	sadd.s32 s8, s13;
	s8 =	sadd.s32 s8, s16  }
0x1a: {  	s23 =	sadd.s32 s10, s13;
	s20 =	sadd.s32 s3, s13;
	s29 =	sadd.s32 $0x9C4, s15  }
0x1b: {  	s30 =	sadd.s32 $0x1388, s15;
	s31 =	sadd.s32 $0x1D4C, s15;
	[dreg:$0x6] =	wrdreg s14  }
0x1c: {  	s1 =	sadd.s32 $0x2710, s15;
	s0 =	sadd.s32 $0x30D4, s15;
	[dreg:$0x7] =	wrdreg s8  }
0x1d: {  	s3 =	sadd.s32 $0x3A98, s15;
	s4 =	sadd.s32 $0x445C, s15;
	[dreg:$0xd] =	wrdreg s23  }
0x1e: {  	s23 =	sadd.s32 $0x5C00, s7;
	s7 =	sadd.s32 $0x13880, s17;
	s8 =	simm.s32 $0x1  }
.LBB2_1:
0x1f: {  	s10 =	rddreg [dreg:$0x3]  }
0x20: {  	[tilespmem:s2], [sflag:$0x1] =	stream.linear.gather [hbm4b:s10+s2], $0x9D0, $0x38;
	[tilespmem:$0x14E00] =	vst v63  }
0x21: {  	s16 =	rddreg [dreg:$0x4];
	s11 =	simm.s32 $0x9D0  }
0x22: {  	[tilespmem:s11], [sflag:$0x1] =	stream.linear.gather [hbm4b:s16+s2], $0x9D0, $0x38;
	[tilespmem:$0x14E00] =	vst v63  }
0x23: {  	s12 =	rddreg [dreg:$0x5];
	s13 =	simm.s32 $0x13A0  }
0x24: {  	[tilespmem:s13], [sflag:$0x1] =	stream.linear.gather [hbm4b:s12+s2], $0x9D0, $0x38;
	[tilespmem:$0x14E00] =	vst v63  }
0x25: {  	s14 =	rddreg [dreg:$0x6];
	s16 =	simm.s32 $0x1D70  }
0x26: {  	[tilespmem:s16], [sflag:$0x1] =	stream.linear.gather [hbm4b:s14+s2], $0x9D0, $0x38;
	[tilespmem:$0x14E00] =	vst v63  }
0x27: {  	s12 =	rddreg [dreg:$0x7];
	s13 =	simm.s32 $0x2740  }
0x28: {  	[tilespmem:s13], [sflag:$0x1] =	stream.linear.gather [hbm4b:s12+s2], $0x9D0, $0x38;
	[tilespmem:$0x14E00] =	vst v63  }
0x29: {  	s14 =	rddreg [dreg:$0x8];
	s16 =	simm.s32 $0x3110  }
0x2a: {  	[tilespmem:s16], [sflag:$0x1] =	stream.linear.gather [hbm4b:s14+s2], $0x9D0, $0x38;
	[tilespmem:$0x14E00] =	vst v63  }
0x2b: {  	s12 =	rddreg [dreg:$0x9];
	s13 =	simm.s32 $0x3AE0  }
0x2c: {  	[tilespmem:s13], [sflag:$0x1] =	stream.linear.gather [hbm4b:s12+s2], $0x9D0, $0x38;
	[tilespmem:$0x14E00] =	vst v63  }
0x2d: {  	s14 =	rddreg [dreg:$0xa];
	s16 =	simm.s32 $0x44B0  }
0x2e: {  	[tilespmem:s16], [sflag:$0x1] =	stream.linear.gather [hbm4b:s14+s2], $0x9D0, $0x38;
	[tilespmem:$0x14E00] =	vst v63  }
0x2f: {  	s12 =	rddreg [dreg:$0xb];
	s13 =	simm.s32 $0x4E80  }
0x30: {  	[tilespmem:s13], [sflag:$0x1] =	stream.linear.gather [hbm4b:s12+s2], $0x9D0, $0x38;
	[tilespmem:$0x14E00] =	vst v63  }
0x31: {  	s14 =	rddreg [dreg:$0xc];
	s16 =	simm.s32 $0x5850  }
0x32: {  	[tilespmem:s16], [sflag:$0x1] =	stream.linear.gather [hbm4b:s14+s2], $0x9D0, $0x38;
	[tilespmem:$0x14E00] =	vst v63  }
0x33: {  	s12 =	rddreg [dreg:$0xd];
	s13 =	simm.s32 $0x6220  }
0x34: {  	[tilespmem:s13], [sflag:$0x1] =	stream.linear.gather [hbm4b:s12+s2], $0x9D0, $0x38;
	[tilespmem:$0x14E00] =	vst v63  }
0x35: {  	s14 =	rddreg [dreg:$0xe];
	s16 =	simm.s32 $0x6BF0  }
0x36: {  	[tilespmem:s16], [sflag:$0x1] =	stream.linear.gather [hbm4b:s14+s2], $0x9D0, $0x38;
	[tilespmem:$0x14E00] =	vst v63  }
0x37: {  	s12 =	rddreg [dreg:$0xf];
	s13 =	simm.s32 $0x75C0  }
0x38: {  	[tilespmem:s13], [sflag:$0x1] =	stream.linear.gather [hbm4b:s12+s2], $0x9D0, $0x38;
	[tilespmem:$0x14E00] =	vst v63  }
0x39: {  	s14 =	simm.s32 $0x7F90  }
0x3a: {  	[tilespmem:s14], [sflag:$0x1] =	stream.linear.gather [hbm4b:s15+s2], $0x9D0, $0x38;
	[tilespmem:$0x14E00] =	vst v63  }
0x3b: {  	s16 =	simm.s32 $0x8960  }
0x3c: {  	[tilespmem:s16], [sflag:$0x1] =	stream.linear.gather [hbm4b:s29+s2], $0x9D0, $0x38;
	[tilespmem:$0x14E00] =	vst v63  }
0x3d: {  	s11 =	simm.s32 $0x9330  }
0x3e: {  	[tilespmem:s11], [sflag:$0x1] =	stream.linear.gather [hbm4b:s30+s2], $0x9D0, $0x38;
	[tilespmem:$0x14E00] =	vst v63  }
0x3f: {  	s12 =	simm.s32 $0x9D00  }
0x40: {  	[tilespmem:s12], [sflag:$0x1] =	stream.linear.gather [hbm4b:s31+s2], $0x9D0, $0x38;
	[tilespmem:$0x14E00] =	vst v63  }
0x41: {  	s13 =	simm.s32 $0xA6D0  }
0x42: {  	[tilespmem:s13], [sflag:$0x1] =	stream.linear.gather [hbm4b:s1+s2], $0x9D0, $0x38;
	[tilespmem:$0x14E00] =	vst v63  }
0x43: {  	s14 =	simm.s32 $0xB0A0  }
0x44: {  	[tilespmem:s14], [sflag:$0x1] =	stream.linear.gather [hbm4b:s0+s2], $0x9D0, $0x38;
	[tilespmem:$0x14E00] =	vst v63  }
0x45: {  	s16 =	simm.s32 $0xBA70  }
0x46: {  	[tilespmem:s16], [sflag:$0x1] =	stream.linear.gather [hbm4b:s3+s2], $0x9D0, $0x38;
	[tilespmem:$0x14E00] =	vst v63  }
0x47: {  	s11 =	simm.s32 $0xC440  }
0x48: {  	[tilespmem:s11], [sflag:$0x1] =	stream.linear.gather [hbm4b:s4+s2], $0x9D0, $0x38;
	[tilespmem:$0x14E00] =	vst v63  }
0x49: {  	s12 =	simm.s32 $0xCE10  }
0x4a: {  	[tilespmem:s12], [sflag:$0x1] =	stream.linear.gather [hbm4b:s23+s2], $0x9D0, $0x38;
	[tilespmem:$0x14E00] =	vst v63  }
0x4b: {  	s13 =	simm.s32 $0xD7E0  }
0x4c: {  	[tilespmem:s13], [sflag:$0x1] =	stream.linear.gather [hbm4b:s24+s2], $0x9D0, $0x38;
	[tilespmem:$0x14E00] =	vst v63  }
0x4d: {  	s14 =	simm.s32 $0xE1B0  }
0x4e: {  	[tilespmem:s14], [sflag:$0x1] =	stream.linear.gather [hbm4b:s25+s2], $0x9D0, $0x38;
	[tilespmem:$0x14E00] =	vst v63  }
0x4f: {  	s16 =	simm.s32 $0xEB80  }
0x50: {  	[tilespmem:s16], [sflag:$0x1] =	stream.linear.gather [hbm4b:s26+s2], $0x9D0, $0x38;
	[tilespmem:$0x14E00] =	vst v63  }
0x51: {  	_ =	swait.ge [sflag:s8], $0x9D0  }
0x52: {  	[sflag:s8] =	ssyncset.done $0x0  }
0x53: {  	[sflag:s8] =	ssyncadd.s32 $0xFFFFF630  }
0x54: {  	_ =	swait.ge [sflag:s8], $0x9D0  }
0x55: {  	[sflag:s8] =	ssyncset.done $0x0  }
0x56: {  	[sflag:s8] =	ssyncadd.s32 $0xFFFFF630  }
0x57: {  	_ =	swait.ge [sflag:s8], $0x9D0  }
0x58: {  	[sflag:s8] =	ssyncset.done $0x0  }
0x59: {  	[sflag:s8] =	ssyncadd.s32 $0xFFFFF630  }
0x5a: {  	_ =	swait.ge [sflag:s8], $0x9D0  }
0x5b: {  	[sflag:s8] =	ssyncset.done $0x0  }
0x5c: {  	[sflag:s8] =	ssyncadd.s32 $0xFFFFF630  }
0x5d: {  	_ =	swait.ge [sflag:s8], $0x9D0  }
0x5e: {  	[sflag:s8] =	ssyncset.done $0x0  }
0x5f: {  	[sflag:s8] =	ssyncadd.s32 $0xFFFFF630  }
0x60: {  	_ =	swait.ge [sflag:s8], $0x9D0  }
0x61: {  	[sflag:s8] =	ssyncset.done $0x0  }
0x62: {  	[sflag:s8] =	ssyncadd.s32 $0xFFFFF630  }
0x63: {  	_ =	swait.ge [sflag:s8], $0x9D0  }
0x64: {  	[sflag:s8] =	ssyncset.done $0x0  }
0x65: {  	[sflag:s8] =	ssyncadd.s32 $0xFFFFF630  }
0x66: {  	_ =	swait.ge [sflag:s8], $0x9D0  }
0x67: {  	[sflag:s8] =	ssyncset.done $0x0  }
0x68: {  	[sflag:s8] =	ssyncadd.s32 $0xFFFFF630  }
0x69: {  	_ =	swait.ge [sflag:s8], $0x9D0  }
0x6a: {  	[sflag:s8] =	ssyncset.done $0x0  }
0x6b: {  	[sflag:s8] =	ssyncadd.s32 $0xFFFFF630  }
0x6c: {  	_ =	swait.ge [sflag:s8], $0x9D0  }
0x6d: {  	[sflag:s8] =	ssyncset.done $0x0  }
0x6e: {  	[sflag:s8] =	ssyncadd.s32 $0xFFFFF630  }
0x6f: {  	_ =	swait.ge [sflag:s8], $0x9D0  }
0x70: {  	[sflag:s8] =	ssyncset.done $0x0  }
0x71: {  	[sflag:s8] =	ssyncadd.s32 $0xFFFFF630  }
0x72: {  	_ =	swait.ge [sflag:s8], $0x9D0  }
0x73: {  	[sflag:s8] =	ssyncset.done $0x0  }
0x74: {  	[sflag:s8] =	ssyncadd.s32 $0xFFFFF630  }
0x75: {  	_ =	swait.ge [sflag:s8], $0x9D0  }
0x76: {  	[sflag:s8] =	ssyncset.done $0x0  }
0x77: {  	[sflag:s8] =	ssyncadd.s32 $0xFFFFF630  }
0x78: {  	_ =	swait.ge [sflag:s8], $0x9D0  }
0x79: {  	[sflag:s8] =	ssyncset.done $0x0  }
0x7a: {  	[sflag:s8] =	ssyncadd.s32 $0xFFFFF630  }
0x7b: {  	_ =	swait.ge [sflag:s8], $0x9D0  }
0x7c: {  	[sflag:s8] =	ssyncset.done $0x0  }
0x7d: {  	[sflag:s8] =	ssyncadd.s32 $0xFFFFF630  }
0x7e: {  	_ =	swait.ge [sflag:s8], $0x9D0  }
0x7f: {  	[sflag:s8] =	ssyncset.done $0x0  }
0x80: {  	[sflag:s8] =	ssyncadd.s32 $0xFFFFF630  }
0x81: {  	_ =	swait.ge [sflag:s8], $0x9D0  }
0x82: {  	[sflag:s8] =	ssyncset.done $0x0  }
0x83: {  	[sflag:s8] =	ssyncadd.s32 $0xFFFFF630  }
0x84: {  	_ =	swait.ge [sflag:s8], $0x9D0  }
0x85: {  	[sflag:s8] =	ssyncset.done $0x0  }
0x86: {  	[sflag:s8] =	ssyncadd.s32 $0xFFFFF630  }
0x87: {  	_ =	swait.ge [sflag:s8], $0x9D0  }
0x88: {  	[sflag:s8] =	ssyncset.done $0x0  }
0x89: {  	[sflag:s8] =	ssyncadd.s32 $0xFFFFF630  }
0x8a: {  	_ =	swait.ge [sflag:s8], $0x9D0  }
0x8b: {  	[sflag:s8] =	ssyncset.done $0x0  }
0x8c: {  	[sflag:s8] =	ssyncadd.s32 $0xFFFFF630  }
0x8d: {  	_ =	swait.ge [sflag:s8], $0x9D0  }
0x8e: {  	[sflag:s8] =	ssyncset.done $0x0  }
0x8f: {  	[sflag:s8] =	ssyncadd.s32 $0xFFFFF630  }
0x90: {  	_ =	swait.ge [sflag:s8], $0x9D0  }
0x91: {  	[sflag:s8] =	ssyncset.done $0x0  }
0x92: {  	[sflag:s8] =	ssyncadd.s32 $0xFFFFF630  }
0x93: {  	_ =	swait.ge [sflag:s8], $0x9D0  }
0x94: {  	[sflag:s8] =	ssyncset.done $0x0  }
0x95: {  	[sflag:s8] =	ssyncadd.s32 $0xFFFFF630  }
0x96: {  	_ =	swait.ge [sflag:s8], $0x9D0  }
0x97: {  	[sflag:s8] =	ssyncset.done $0x0  }
0x98: {  	[sflag:s8] =	ssyncadd.s32 $0xFFFFF630  }
0x99: {  	_ =	swait.ge [sflag:s8], $0x9D0  }
0x9a: {  	s10 =	simm.s32 $0xFFFFFFFC;
	[sflag:s8] =	ssyncset.done $0x0  }
0x9b: {  	s11 =	simm.s32 $0x0;
	s12 =	simm.s32 $0x0;
	[sflag:s8] =	ssyncadd.s32 $0xFFFFF630  }
.LBB2_2:
0x9c: {  	s13 =	sshra.s32 s12, $0x2  }
0x9d: {  	v1 =	vld [tilespmem:s13+$0x0]  }
0x9e: {  	v2 =	vld [tilespmem:s13+$0x9D0]  }
0x9f: {  	v3 =	vld [tilespmem:s13+$0x13A0]  }
0xa0: {  	v4 =	vld [tilespmem:s13+$0x1D70]  }
0xa1: {  	v5 =	vld [tilespmem:s13+$0x2740]  }
0xa2: {  	v10 =	vld [tilespmem:s13+$0x6220]  }
0xa3: {  	v11 =	vld [tilespmem:s13+$0x6BF0]  }
0xa4: {  	v12 =	vld [tilespmem:s13+$0x75C0]  }
0xa5: {  	v13 =	vld [tilespmem:s13+$0x7F90]  }
0xa6: {  	v14 =	vld [tilespmem:s13+$0x8960]  }
0xa7: {  	v15 =	vld [tilespmem:s13+$0x9330]  }
0xa8: {  	v18 =	vld [tilespmem:s13+$0xCE10]  }
0xa9: {  	s14 =	sand.u32 $0xFC0, s11;
	v19 =	vld [tilespmem:s13+$0xD7E0]  }
0xaa: {  	v16 =	vld [tilespmem:s14+$0x9D00]  }
0xab: {  	v17 =	vld [tilespmem:s13+$0xA6D0];
	v0 =	vmax.f32 v1, $0.0e+00  }
0xac: {  	v20 =	vld [tilespmem:s13+$0xE1B0];
	v7 =	vmax.f32 v2, $0.0e+00;
	v8 =	vmax.f32 v3, $0.0e+00;
	v6 =	vmax.f32 v4, $0.0e+00  }
0xad: {  	v27 =	vld [tilespmem:s13+$0xB0A0];
	v9 =	vmax.f32 v5, $0.0e+00;
	v29 =	vmin.f32 v10, $4.000000000e+00;
	v33 =	vmin.f32 v11, $4.000000000e+00  }
0xae: {  	v30 =	vld [tilespmem:s13+$0xBA70];
	vm2 =	vgt.f32 v19, v18;
	v2 =	vadd.f32 v7, v0;
	v3 =	vadd.f32 v6, v8  }
0xaf: {  	v22 =	vld [tilespmem:s14+$0xEB80];
	v35 =	vmin.f32 v12, $4.000000000e+00;
	v28 =	vadd.f32 $5.000000000e+00, v9;
	v31 =	vmax.f32 v29, $-4.000000000e+00  }
0xb0: {  	v32 =	vld [tilespmem:s13+$0xC440];
	v34 =	vsel vm2, v19, v18;
	v36 =	vsel vm2, v15, v13;
	v2 =	vadd.f32 v3, v2  }
0xb1: {  	v37 =	vsel vm2, v16, v14;
	v11 =	vmax.f32 v35, $-4.000000000e+00;
	vm1 =	vgt.f32 v20, v34  }
0xb2: {  	v40 =	vmul.f32 $1.442695020e+00, v11;
	v3 =	vmul.f32 $1.442695020e+00, v31;
	v2 =	vadd.f32 v28, v2  }
0xb3: {  	v38 =	vsel vm1, v20, v34;
	v39 =	vsel vm1, v17, v36;
	v4 =	vsel vm1, v27, v37  }
0xb4: {  	vm0 =	vgt.f32 v22, v38;
	(erf) = vrcp.f32 v2;
	v2 =	vmax.f32 v33, $-4.000000000e+00  }
0xb5: {  	v12 =	vsel vm0, v30, v39;
	v16 =	vsel vm0, v32, v4;
	v2 =	vmul.f32 $1.442695020e+00, v2  }
0xb6: {  	v30 =	vand.u32 $0x7FFFFFFF, v16;
	v34 =	vand.u32 $0x7FFFFFFF, v12;
	(erf) = vpow2.f32 v3  }
0xb7: {  	v41 =	vmax.f32 v30, v34;
	(erf) = vpow2.f32 v2  }
0xb8: {  	v2 =	vmax.f32 v41, $1.000000000e-30;
	(erf) = vpow2.f32 v40  }
0xb9: {  	(erf) = vrcp.f32 v2;
	_ =	sdelay $0x4  }
0xba: {  	v5 =	vpop (erf)  }
0xbb: {  	v4 =	vpop (erf)  }
0xbc: {  	v2 =	vpop (erf)  }
0xbd: {  	v3 =	vpop (erf)  }
0xbe: {  	v42 =	vmin.f32 v30, v34;
	v43 =	vpop (erf)  }
0xbf: {  	v48 =	vld [tilespmem:s13+$0x10];
	v44 =	vsel vm0, v22, v38;
	v21 =	vmul.f32 v43, v42  }
0xc0: {  	v49 =	vld [tilespmem:s13+$0x9E0];
	v45 =	vsub.f32 v18, v44  }
0xc1: {  	v50 =	vld [tilespmem:s13+$0x13B0];
	v14 =	vsub.f32 v19, v44;
	v11 =	vadd.f32 $1.000000000e+00, v21  }
0xc2: {  	v51 =	vld [tilespmem:s14+$0x1D80];
	v10 =	vmul.f32 $1.442695020e+00, v45  }
0xc3: {  	v53 =	vld [tilespmem:s13+$0x2750];
	v47 =	vsub.f32 v20, v44;
	v46 =	vmul.f32 $1.442695020e+00, v14;
	(erf) = vrcp.f32 v11  }
0xc4: {  	v54 =	vld [tilespmem:s13+$0x6230];
	(erf) = vpow2.f32 v10  }
0xc5: {  	v55 =	vld [tilespmem:s14+$0x6C00];
	v13 =	vsub.f32 v22, v44;
	v10 =	vmul.f32 $1.442695020e+00, v47;
	(erf) = vpow2.f32 v46  }
0xc6: {  	v56 =	vld [tilespmem:s13+$0x75D0]  }
0xc7: {  	v24 =	vld [tilespmem:s13+$0x7FA0];
	v52 =	vmul.f32 $1.442695020e+00, v13;
	(erf) = vpow2.f32 v10  }
0xc8: {  	v25 =	vld [tilespmem:s13+$0x8970]  }
0xc9: {  	v26 =	vld [tilespmem:s13+$0x9340];
	(erf) = vpow2.f32 v52  }
0xca: {  	v35 =	vld [tilespmem:s13+$0xD7F0]  }
0xcb: {  	v31 =	vld [tilespmem:s13+$0xCE20]  }
0xcc: {  	v63 =	vld [tilespmem:s13+$0xE1C0];
	v15 =	vmax.f32 v53, $0.0e+00;
	v38 =	vmin.f32 v56, $4.000000000e+00;
	v23 =	vpop (erf)  }
0xcd: {  	v1 =	vld [tilespmem:s13+$0xC450];
	v62 =	vadd.f32 $5.000000000e+00, v15;
	v19 =	vmin.f32 v54, $4.000000000e+00;
	v20 =	vmax.f32 v38, $-4.000000000e+00;
	v57 =	vpop (erf)  }
0xce: {  	v28 =	vld [tilespmem:s13+$0x9D10];
	v19 =	vmax.f32 v19, $-4.000000000e+00;
	v13 =	vmax.f32 v49, $0.0e+00;
	v14 =	vmax.f32 v50, $0.0e+00;
	v58 =	vpop (erf)  }
0xcf: {  	v33 =	vld [tilespmem:s13+$0xB0B0];
	v11 =	vmax.f32 v51, $0.0e+00;
	v10 =	vmax.f32 v48, $0.0e+00;
	v27 =	vadd.f32 v58, v57  }
0xd0: {  	v29 =	vld [tilespmem:s13+$0xA6E0];
	vm5 =	vgt.f32 v35, v31;
	v32 =	vadd.f32 v11, v14;
	v60 =	vadd.f32 v13, v10;
	v59 =	vpop (erf)  }
0xd1: {  	[tilespmem:$0x1FFF0] =	vst v0;
	v39 =	vld [tilespmem:s13+$0xEB90];
	v0 =	vmul.f32 $1.442695020e+00, v19;
	v37 =	vsel vm5, v35, v31;
	v27 =	vadd.f32 v27, v59  }
0xd2: {  	v36 =	vld [tilespmem:s14+$0xBA80];
	v45 =	vmul.f32 $1.442695020e+00, v20;
	vm3 =	vgt.f32 v63, v37;
	v17 =	vadd.f32 v32, v60;
	v61 =	vpop (erf)  }
0xd3: {  	v41 =	vsel vm5, v28, v25;
	v40 =	vsel vm5, v26, v24;
	v18 =	vadd.f32 v27, v61  }
0xd4: {  	v44 =	vsel vm3, v33, v41;
	v42 =	vsel vm3, v63, v37;
	v17 =	vadd.f32 v62, v17  }
0xd5: {  	v43 =	vsel vm3, v29, v40;
	v32 =	vmin.f32 v55, $4.000000000e+00;
	(erf) = vrcp.f32 v18  }
0xd6: {  	vm4 =	vgt.f32 v39, v42;
	(erf) = vrcp.f32 v17;
	v17 =	vmax.f32 v32, $-4.000000000e+00  }
0xd7: {  	v33 =	vsel vm4, v1, v44;
	v32 =	vsel vm4, v36, v43;
	v17 =	vmul.f32 $1.442695020e+00, v17  }
0xd8: {  	v37 =	vand.u32 $0x7FFFFFFF, v33;
	(erf) = vpow2.f32 v0;
	v38 =	vand.u32 $0x7FFFFFFF, v32  }
0xd9: {  	v46 =	vmax.f32 v37, v38;
	(erf) = vpow2.f32 v17  }
0xda: {  	v17 =	vmax.f32 v46, $1.000000000e-30;
	(erf) = vpow2.f32 v45  }
0xdb: {  	(erf) = vrcp.f32 v17;
	_ =	sdelay $0x3  }
0xdc: {  	v28 =	vpop (erf)  }
0xdd: {  	v22 =	vpop (erf)  }
0xde: {  	v19 =	vpop (erf)  }
0xdf: {  	v17 =	vpop (erf)  }
0xe0: {  	v18 =	vpop (erf)  }
0xe1: {  	v47 =	vmin.f32 v37, v38;
	v48 =	vpop (erf)  }
0xe2: {  	v25 =	vsel vm4, v39, v42;
	v36 =	vmul.f32 v48, v47  }
0xe3: {  	v53 =	vld [tilespmem:s13+$0x20];
	v49 =	vsub.f32 v31, v25  }
0xe4: {  	v56 =	vld [tilespmem:s13+$0x1D90];
	v50 =	vsub.f32 v35, v25;
	v24 =	vadd.f32 $1.000000000e+00, v36  }
0xe5: {  	v54 =	vld [tilespmem:s13+$0x9F0];
	v20 =	vmul.f32 $1.442695020e+00, v49  }
0xe6: {  	v26 =	vld [tilespmem:s13+$0xA6F0];
	v51 =	vmul.f32 $1.442695020e+00, v50;
	v52 =	vsub.f32 v63, v25;
	(erf) = vrcp.f32 v24  }
0xe7: {  	v40 =	vld [tilespmem:s13+$0x75E0];
	(erf) = vpow2.f32 v20  }
0xe8: {  	v42 =	vld [tilespmem:s13+$0x7FB0];
	v25 =	vsub.f32 v39, v25;
	v20 =	vmul.f32 $1.442695020e+00, v52;
	(erf) = vpow2.f32 v51  }
0xe9: {  	v44 =	vld [tilespmem:s13+$0x9350]  }
0xea: {  	v55 =	vld [tilespmem:s13+$0x13C0];
	v57 =	vmul.f32 $1.442695020e+00, v25;
	(erf) = vpow2.f32 v20  }
0xeb: {  	v49 =	vld [tilespmem:s13+$0xCE30]  }
0xec: {  	v58 =	vld [tilespmem:s13+$0x2760];
	(erf) = vpow2.f32 v57  }
0xed: {  	v39 =	vld [tilespmem:s13+$0x6C10]  }
0xee: {  	v59 =	vld [tilespmem:s13+$0x6240];
	v45 =	vadd.f32 $-1.000000000e+00, v21  }
0xef: {  	vm9 =	vgt.f32 v21, $4.142135680e-01;
	v25 =	vmax.f32 v54, $0.0e+00;
	v27 =	vmax.f32 v55, $0.0e+00;
	v51 =	vld [tilespmem:s14+$0xD800];
	v41 =	vpop (erf)  }
0xf0: {  	v43 =	vld [tilespmem:s14+$0x8980];
	v23 =	vmul.f32 v23, v45;
	v24 =	vmax.f32 v56, $0.0e+00;
	v20 =	vmax.f32 v53, $0.0e+00;
	v60 =	vpop (erf)  }
0xf1: {  	v29 =	vmax.f32 v58, $0.0e+00;
	v47 =	vld [tilespmem:s13+$0x9D20];
	v50 =	vadd.f32 v24, v27;
	v48 =	vadd.f32 v25, v20;
	v61 =	vpop (erf)  }
0xf2: {  	v58 =	vld [tilespmem:s13+$0xBA90];
	v1 =	vadd.f32 $5.000000000e+00, v29;
	v52 =	vsel vm9, v23, v21;
	v46 =	vadd.f32 v61, v60  }
0xf3: {  	v45 =	vld [tilespmem:s13+$0xE1D0];
	v53 =	vmul.f32 v52, v52;
	v57 =	vmin.f32 v59, $4.000000000e+00;
	v48 =	vadd.f32 v50, v48;
	v62 =	vpop (erf)  }
0xf4: {  	v23 =	vmax.f32 v57, $-4.000000000e+00;
	v50 =	vld [tilespmem:s13+$0xEBA0];
	vm8 =	vgt.f32 v51, v49;
	v63 =	vadd.f32 v46, v62  }
0xf5: {  	v59 =	vadd.f32 v1, v48;
	v1 =	vmin.f32 v40, $4.000000000e+00;
	v48 =	vsel vm8, v44, v42;
	v0 =	vpop (erf);
	v46 =	vld [tilespmem:s13+$0xB0C0]  }
0xf6: {  	v54 =	vsel vm8, v47, v43;
	v61 =	vld [tilespmem:s13+$0xC460];
	v62 =	vmin.f32 v39, $4.000000000e+00;
	v56 =	vadd.f32 v63, v0  }
0xf7: {  	v60 =	vmul.f32 $1.442695020e+00, v23;
	v63 =	vmax.f32 v62, $-4.000000000e+00;
	v0 =	vsel vm8, v51, v49  }
0xf8: {  	v21 =	vmul.f32 $1.442695020e+00, v63;
	vm7 =	vgt.f32 v45, v0;
	(erf) = vrcp.f32 v56  }
0xf9: {  	v43 =	vsel vm7, v45, v0;
	v26 =	vsel vm7, v26, v48;
	v56 =	vmax.f32 v1, $-4.000000000e+00  }
0xfa: {  	(erf) = vrcp.f32 v59;
	v55 =	vsel vm7, v46, v54;
	vm6 =	vgt.f32 v50, v43  }
0xfb: {  	v57 =	vmul.f32 $1.442695020e+00, v56;
	v39 =	vsel vm6, v58, v26;
	v46 =	vsel vm6, v61, v55  }
0xfc: {  	(erf) = vpow2.f32 v60;
	v47 =	vand.u32 $0x7FFFFFFF, v46;
	v48 =	vand.u32 $0x7FFFFFFF, v39  }
0xfd: {  	v59 =	vmul.f32 $8.053744580e-02, v53;
	(erf) = vpow2.f32 v21;
	v58 =	vmax.f32 v47, v48  }
0xfe: {  	(erf) = vpow2.f32 v57;
	v21 =	vmax.f32 v58, $1.000000000e-30  }
0xff: {  	v60 =	vadd.f32 $-1.387768540e-01, v59;
	(erf) = vrcp.f32 v21;
	_ =	sdelay $0x1  }
0x100: {  	v21 =	vmul.f32 v60, v53;
	_ =	sdelay $0x1  }
0x101: {  	v21 =	vadd.f32 $1.997771110e-01, v21;
	v35 =	vpop (erf)  }
0x102: {  	v31 =	vpop (erf)  }
0x103: {  	v61 =	vadd.f32 $-1.000000000e+00, v36;
	v26 =	vpop (erf)  }
0x104: {  	v23 =	vpop (erf)  }
0x105: {  	v40 =	vmul.f32 v41, v61;
	v62 =	vmul.f32 v21, v53;
	v21 =	vpop (erf)  }
0x106: {  	vm12 =	vgt.f32 v36, $4.142135680e-01;
	v0 =	vmin.f32 v47, v48;
	v1 =	vpop (erf)  }
0x107: {  	v56 =	vsel vm6, v50, v43;
	v54 =	vsel vm12, v40, v36;
	v40 =	vmul.f32 v1, v0  }
0x108: {  	v43 =	vsub.f32 v49, v56  }
0x109: {  	v63 =	vadd.f32 $-3.333294990e-01, v62;
	v44 =	vadd.f32 $1.000000000e+00, v40  }
0x10a: {  	v57 =	vsub.f32 v51, v56;
	v43 =	vmul.f32 $1.442695020e+00, v43;
	v42 =	vmul.f32 v54, v54  }
0x10b: {  	v41 =	vmul.f32 v63, v53;
	(erf) = vrcp.f32 v44  }
0x10c: {  	v59 =	vmul.f32 $1.442695020e+00, v57;
	v60 =	vsub.f32 v45, v56;
	v58 =	vmul.f32 $8.053744580e-02, v42  }
0x10d: {  	v55 =	vld [tilespmem:s13+$0x6C20];
	v36 =	vsub.f32 v50, v56;
	v41 =	vmul.f32 v41, v52;
	(erf) = vpow2.f32 v43  }
0x10e: {  	v49 =	vld [tilespmem:s14+$0xA00];
	v61 =	vadd.f32 $-1.387768540e-01, v58;
	v43 =	vmul.f32 $1.442695020e+00, v60;
	(erf) = vpow2.f32 v59  }
0x10f: {  	v50 =	vld [tilespmem:s13+$0x13D0];
	v36 =	vmul.f32 $1.442695020e+00, v36;
	v41 =	vadd.f32 v41, v52  }
0x110: {  	v57 =	vld [tilespmem:s13+$0x75F0];
	v45 =	vmul.f32 v61, v42;
	(erf) = vpow2.f32 v43  }
0x111: {  	v7 =	vmax.f32 v7, v8;
	v44 =	vld [tilespmem:s13+$0x30];
	v62 =	vadd.f32 $7.853981850e-01, v41  }
0x112: {  	v6 =	vmax.f32 v6, v9;
	v45 =	vadd.f32 $1.997771110e-01, v45;
	v43 =	vld [tilespmem:s13+$0x1DA0];
	(erf) = vpow2.f32 v36  }
0x113: {  	v7 =	vmax.f32 v7, v6;
	v61 =	vld [tilespmem:s13+$0x9360];
	v0 =	vadd.f32 $-1.000000000e+00, v40;
	v63 =	vsel vm9, v62, v41  }
0x114: {  	vm14 =	vgt.f32 v34, v30;
	v53 =	vld [tilespmem:s13+$0x6250];
	v45 =	vmul.f32 v45, v42;
	v51 =	vsub.f32 $1.570796370e+00, v63;
	v56 =	vpop (erf)  }
0x115: {  	v11 =	vmax.f32 v11, v15;
	v13 =	vmax.f32 v13, v14;
	v52 =	vld [tilespmem:s13+$0x2770];
	v1 =	vmul.f32 v56, v0  }
0x116: {  	vm13 =	vgt.f32 v40, $4.142135680e-01;
	v45 =	vadd.f32 $-3.333294990e-01, v45;
	v59 =	vld [tilespmem:s13+$0x8990];
	v58 =	vsel vm14, v51, v63;
	v41 =	vpop (erf)  }
0x117: {  	v30 =	vmax.f32 v44, $0.0e+00;
	v44 =	vld [tilespmem:s13+$0x9D30];
	v36 =	vmax.f32 v43, $0.0e+00;
	v0 =	vpop (erf);
	v60 =	vsel vm13, v1, v40  }
0x118: {  	v56 =	vld [tilespmem:s13+$0x7FC0];
	v34 =	vadd.f32 v0, v41;
	v40 =	vmax.f32 v49, $0.0e+00;
	v41 =	vmax.f32 v50, $0.0e+00  }
0x119: {  	v49 =	vld [tilespmem:s13+$0xCE40];
	v62 =	vmul.f32 v60, v60;
	v51 =	vadd.f32 v40, v30;
	v63 =	vadd.f32 v36, v41;
	v1 =	vpop (erf)  }
0x11a: {  	v45 =	vmul.f32 v45, v42;
	v42 =	vmax.f32 v52, $0.0e+00;
	v50 =	vld [tilespmem:s13+$0xD810];
	v34 =	vadd.f32 v34, v1  }
0x11b: {  	v0 =	vadd.f32 $5.000000000e+00, v42;
	v43 =	vmul.f32 $8.053744580e-02, v62;
	v52 =	vpop (erf);
	v1 =	vld [tilespmem:s14+$0xA700];
	v63 =	vadd.f32 v63, v51  }
0x11c: {  	v45 =	vmul.f32 v45, v54;
	v51 =	vld [tilespmem:s13+$0xE1E0];
	v34 =	vadd.f32 v34, v52;
	v52 =	vmin.f32 v53, $4.000000000e+00  }
0x11d: {  	v43 =	vadd.f32 $-1.387768540e-01, v43;
	v0 =	vadd.f32 v0, v63;
	v53 =	vld [tilespmem:s13+$0xB0D0];
	v52 =	vmax.f32 v52, $-4.000000000e+00  }
0x11e: {  	v55 =	vmin.f32 v55, $4.000000000e+00;
	(erf) = vrcp.f32 v34;
	v34 =	vld [tilespmem:s13+$0xBAA0];
	v63 =	vmul.f32 $1.442695020e+00, v52  }
0x11f: {  	vm9 =	vgt.f32 v50, v49;
	v43 =	vmul.f32 v43, v62;
	v52 =	vld [tilespmem:s13+$0xEBB0];
	(erf) = vrcp.f32 v0  }
0x120: {  	v54 =	vadd.f32 v45, v54;
	v0 =	vld [tilespmem:s13+$0xC470];
	(erf) = vpow2.f32 v63;
	v63 =	vsel vm9, v50, v49  }
0x121: {  	v61 =	vsel vm9, v61, v56;
	v43 =	vadd.f32 $1.997771110e-01, v43;
	vm10 =	vgt.f32 v51, v63  }
0x122: {  	v44 =	vsel vm9, v44, v59;
	v1 =	vsel vm10, v1, v61;
	v61 =	vmax.f32 v55, $-4.000000000e+00  }
0x123: {  	v55 =	vmul.f32 v43, v62;
	v56 =	vsel vm10, v51, v63;
	v63 =	vmin.f32 v57, $4.000000000e+00  }
0x124: {  	v44 =	vsel vm10, v53, v44;
	v59 =	vmul.f32 $1.442695020e+00, v61;
	vm11 =	vgt.f32 v52, v56  }
0x125: {  	v57 =	vmax.f32 v63, $-4.000000000e+00;
	v34 =	vsel vm11, v34, v1;
	v43 =	vsel vm11, v0, v44  }
0x126: {  	v61 =	vmul.f32 $1.442695020e+00, v57;
	v44 =	vand.u32 $0x7FFFFFFF, v43;
	v45 =	vand.u32 $0x7FFFFFFF, v34  }
0x127: {  	v11 =	vmax.f32 v13, v11;
	(erf) = vpow2.f32 v59;
	v57 =	vmax.f32 v44, v45  }
0x128: {  	v11 =	vadd.f32 $1.000000000e+00, v11;
	(erf) = vpow2.f32 v61;
	v53 =	vmax.f32 v57, $1.000000000e-30  }
0x129: {  	v10 =	vadd.f32 $1.000000000e+00, v10;
	vm15 =	vlt.f32 v32, $0.0e+00;
	(erf) = vrcp.f32 v53  }
0x12a: {  	v11 =	vmul.f32 v22, v11;
	v20 =	vadd.f32 $1.000000000e+00, v20;
	v63 =	vadd.f32 $7.853981850e-01, v54  }
0x12b: {  	v10 =	vmul.f32 v22, v10;
	v59 =	vadd.f32 $-3.333294990e-01, v55;
	v61 =	vsub.f32 $3.141592740e+00, v58  }
0x12c: {  	vm14 =	vlt.f32 v16, $0.0e+00;
	v1 =	vsel vm12, v63, v54;
	vm12 =	vgt.f32 v38, v37;
	v37 =	vld [tilespmem:s13+$0x44B0]  }
0x12d: {  	v63 =	vsub.f32 $1.570796370e+00, v1;
	v0 =	vmul.f32 v59, v62;
	v16 =	vpop (erf);
	v8 =	vsel vm14, v61, v58  }
0x12e: {  	v10 =	vmax.f32 v11, v10;
	v57 =	vadd.f32 $1.000000000e+00, v7;
	v6 =	vpop (erf);
	v54 =	vsub.f32 $0.0e+00, v8  }
0x12f: {  	v32 =	vld [tilespmem:s13+$0x3110];
	v1 =	vsel vm12, v63, v1;
	vm12 =	vlt.f32 v12, $0.0e+00;
	v0 =	vmul.f32 v0, v60;
	v7 =	vpop (erf)  }
0x130: {  	v62 =	vmin.f32 v44, v45;
	v55 =	vsub.f32 $3.141592740e+00, v1;
	v12 =	vsel vm12, v54, v8;
	v8 =	vpop (erf)  }
0x131: {  	vm14 =	vlt.f32 v33, $0.0e+00;
	v37 =	vmul.f32 $8.000000110e-01, v37;
	v0 =	vadd.f32 v0, v60;
	v9 =	vpop (erf)  }
0x132: {  	v60 =	vimm.f32 $0.0e+00;
	v1 =	vsel vm14, v55, v1;
	v55 =	vmul.f32 v5, v57;
	v63 =	vpop (erf)  }
0x133: {  	v54 =	vld [tilespmem:s14+$0x4E80];
	vm14 =	vlt.f32 v46, $0.0e+00;
	v59 =	vsub.f32 $0.0e+00, v1;
	v38 =	vmul.f32 v63, v62  }
0x134: {  	v58 =	vsel vm2, $0x3FC90FDB, v60;
	v32 =	vadd.f32 v37, v32;
	v61 =	vadd.f32 $7.853981850e-01, v0  }
0x135: {  	v57 =	vld [tilespmem:s13+$0x3AE0];
	v33 =	vsel vm1, $0x40490FDB, v58;
	vm12 =	vgt.f32 v55, $5.000000000e-01;
	v63 =	vadd.f32 $1.000000000e+00, v38  }
0x136: {  	v1 =	vsel vm15, v59, v1;
	v33 =	vsel vm0, $0x4096CBE4, v33;
	v0 =	vsel vm13, v61, v0;
	v61 =	vld [tilespmem:$0x1FFF0]  }
0x137: {  	v58 =	vsel vm12, $0x3F800000, v60;
	vm13 =	vgt.f32 v48, v47;
	v48 =	vld [tilespmem:s13+$0x5850];
	(erf) = vrcp.f32 v63  }
0x138: {  	vm15 =	vgt.f32 v11, $5.000000000e-01;
	vm12 =	vgt.f32 v45, v44;
	v59 =	vmul.f32 $8.000000110e-01, v54;
	v54 =	vld [tilespmem:s13+$0x4E90]  }
0x139: {  	v12 =	vadd.f32 v12, v33;
	v32 =	vmul.f32 v58, v32;
	v4 =	vmul.f32 v4, v58  }
0x13a: {  	v2 =	vmul.f32 v2, v58;
	v3 =	vmul.f32 v3, v58;
	v62 =	vsub.f32 $1.570796370e+00, v0  }
0x13b: {  	v13 =	vmul.f32 v28, v58;
	v12 =	vmul.f32 v12, v58;
	v53 =	vadd.f32 $1.000000000e+00, v61;
	v63 =	vld [tilespmem:s13+$0x44C0]  }
0x13c: {  	v0 =	vsel vm13, v62, v0;
	v62 =	vadd.f32 v59, v57;
	v47 =	vmul.f32 v58, v48  }
0x13d: {  	v57 =	vld [tilespmem:s13+$0x3AF0];
	v61 =	vsub.f32 $3.141592740e+00, v0;
	v33 =	vmul.f32 $8.000000110e-01, v54;
	v54 =	vsel vm15, $0x3F800000, v60  }
0x13e: {  	v5 =	vmul.f32 v5, v53;
	v53 =	vsel vm5, $0x3FC90FDB, v60;
	v37 =	vmul.f32 v58, v62  }
0x13f: {  	v19 =	vmul.f32 v19, v54;
	v0 =	vsel vm14, v61, v0;
	v61 =	vadd.f32 $-1.000000000e+00, v38  }
0x140: {  	vm5 =	vlt.f32 v39, $0.0e+00;
	v17 =	vmul.f32 v17, v54;
	v59 =	vmul.f32 $8.000000110e-01, v63;
	v63 =	vpop (erf)  }
0x141: {  	v48 =	vsel vm3, $0x40490FDB, v53;
	v5 =	vmax.f32 v55, v5;
	v55 =	vld [tilespmem:s13+$0x3120];
	v28 =	vmul.f32 v63, v61  }
0x142: {  	v62 =	vld [tilespmem:s13+$0x5860];
	v15 =	vadd.f32 v33, v57;
	v33 =	vsel vm4, $0x4096CBE4, v48;
	vm4 =	vgt.f32 v38, $4.142135680e-01  }
0x143: {  	v18 =	vmul.f32 v18, v54;
	v35 =	vmul.f32 v35, v54;
	v39 =	vld [tilespmem:s13+$0x44D0];
	v28 =	vsel vm4, v28, v38  }
0x144: {  	[tilespmem:s13+$0xF580] =	vst v32;
	v10 =	vmul.f32 v54, v10;
	v53 =	vsub.f32 $0.0e+00, v0;
	v38 =	vmul.f32 v28, v28  }
0x145: {  	[tilespmem:s13+$0x112F0] =	vst v4;
	v5 =	vmul.f32 v58, v5;
	v57 =	vsel vm11, v52, v56;
	v1 =	vadd.f32 v1, v33  }
0x146: {  	[tilespmem:s13+$0x11CC0] =	vst v2;
	v58 =	vsub.f32 v49, v57;
	v14 =	vadd.f32 v59, v55;
	v55 =	vmul.f32 $8.053744580e-02, v38  }
0x147: {  	[tilespmem:s13+$0x12690] =	vst v3;
	v11 =	vmul.f32 v54, v15;
	v15 =	vmul.f32 v54, v62;
	v59 =	vsub.f32 v50, v57  }
0x148: {  	v3 =	vmul.f32 $8.000000110e-01, v39;
	v62 =	vmul.f32 $1.442695020e+00, v58;
	v22 =	vadd.f32 $-1.387768540e-01, v55  }
0x149: {  	[tilespmem:s13+$0xFF50] =	vst v37;
	v37 =	vsub.f32 v51, v57;
	v1 =	vmul.f32 v1, v54;
	v33 =	vmul.f32 $1.442695020e+00, v59  }
0x14a: {  	[tilespmem:s13+$0x13A30] =	vst v13;
	v48 =	vld [tilespmem:s13+$0x4EA0];
	v0 =	vsel vm5, v53, v0;
	(erf) = vpow2.f32 v62;
	v22 =	vmul.f32 v22, v38  }
0x14b: {  	[tilespmem:s13+$0x10920] =	vst v47;
	v47 =	vsub.f32 v52, v57;
	v49 =	vmul.f32 $1.442695020e+00, v37;
	(erf) = vpow2.f32 v33  }
0x14c: {  	s16 =	sadd.s32 $0x4E80, s14;
	[tilespmem:s13+$0x13060] =	vst v12;
	v52 =	vld [tilespmem:s14+$0x3B00];
	v61 =	vmax.f32 v25, v27;
	v63 =	vmax.f32 v24, v29;
	v46 =	vadd.f32 $1.997771110e-01, v22  }
0x14d: {  	[tilespmem:s16+$0xF580] =	vst v5;
	v12 =	vmul.f32 $1.442695020e+00, v47;
	v50 =	vld [tilespmem:s13+$0x3130];
	v2 =	vmax.f32 v61, v63;
	(erf) = vpow2.f32 v49  }
0x14e: {  	[tilespmem:s13+$0xFF60] =	vst v11;
	v14 =	vmul.f32 v54, v14;
	v2 =	vadd.f32 $1.000000000e+00, v2;
	v4 =	vmul.f32 v46, v38  }
0x14f: {  	v51 =	vsel vm8, $0x3FC90FDB, v60;
	[tilespmem:s13+$0x10930] =	vst v15;
	v57 =	vmul.f32 $8.000000110e-01, v48;
	(erf) = vpow2.f32 v12  }
0x150: {  	s16 =	sadd.s32 $0x1D80, s14;
	v54 =	vsel vm7, $0x40490FDB, v51;
	[tilespmem:s13+$0xF590] =	vst v14;
	v2 =	vmul.f32 v31, v2;
	v4 =	vadd.f32 $-3.333294990e-01, v4  }
0x151: {  	v53 =	vmul.f32 v31, v20;
	v56 =	vsel vm6, $0x4096CBE4, v54;
	v5 =	vadd.f32 v57, v52;
	[tilespmem:s16+$0xF580] =	vst v19  }
0x152: {  	v3 =	vadd.f32 v3, v50;
	[tilespmem:s13+$0x11CD0] =	vst v17;
	vm8 =	vgt.f32 v2, $5.000000000e-01;
	v4 =	vmul.f32 v4, v38  }
0x153: {  	v0 =	vadd.f32 v0, v56;
	v61 =	vmax.f32 v40, v41;
	[tilespmem:s13+$0x126A0] =	vst v18;
	v58 =	vsel vm8, $0x3F800000, v60;
	v59 =	vpop (erf)  }
0x154: {  	v27 =	vld [tilespmem:s13+$0x44E0];
	[tilespmem:s13+$0x13070] =	vst v1;
	v2 =	vmax.f32 v2, v53;
	v3 =	vmul.f32 v58, v3;
	v62 =	vpop (erf);
	v4 =	vmul.f32 v4, v28  }
0x155: {  	[tilespmem:s13+$0x13A40] =	vst v35;
	v55 =	vld [tilespmem:s13+$0x5870];
	v25 =	vmul.f32 v26, v58;
	v26 =	vmax.f32 v36, v42;
	v14 =	vadd.f32 v62, v59  }
0x156: {  	[tilespmem:s13+$0x14410] =	vst v10;
	v31 =	vld [tilespmem:s13+$0x4EB0];
	v29 =	vmul.f32 v23, v58;
	v33 =	vmul.f32 v21, v58;
	v63 =	vadd.f32 v4, v28;
	v28 =	vpop (erf)  }
0x157: {  	v35 =	vld [tilespmem:s13+$0x3140];
	v0 =	vmul.f32 v0, v58;
	v12 =	vmax.f32 v61, v26;
	[tilespmem:s13+$0xF5A0] =	vst v3;
	v14 =	vadd.f32 v14, v28  }
0x158: {  	v37 =	vld [tilespmem:s13+$0x3B10];
	v36 =	vmul.f32 v16, v58;
	v12 =	vadd.f32 $1.000000000e+00, v12;
	[tilespmem:s13+$0x11310] =	vst v25;
	v38 =	vpop (erf);
	v32 =	vadd.f32 $7.853981850e-01, v63  }
0x159: {  	v42 =	vmul.f32 $8.000000110e-01, v27;
	[tilespmem:s13+$0x11CE0] =	vst v29;
	v22 =	vmul.f32 v58, v5;
	v40 =	vadd.f32 v14, v38  }
0x15a: {  	[tilespmem:s13+$0x126B0] =	vst v33;
	v24 =	vmul.f32 v58, v55;
	v41 =	vmul.f32 v6, v12;
	v1 =	vsel vm4, v32, v63  }
0x15b: {  	v47 =	vmul.f32 $8.000000110e-01, v31;
	[tilespmem:s13+$0xFF70] =	vst v22;
	v46 =	vld [tilespmem:s14+$0x5880];
	v39 =	vsub.f32 $1.570796370e+00, v1;
	(erf) = vrcp.f32 v40  }
0x15c: {  	s16 =	sadd.s32 $0x3B00, s14;
	v2 =	vmul.f32 v58, v2;
	v48 =	vadd.f32 v42, v35;
	[tilespmem:s13+$0x10940] =	vst v24;
	vm13 =	vgt.f32 v41, $5.000000000e-01  }
0x15d: {  	v49 =	vadd.f32 v47, v37;
	[tilespmem:s16+$0xF580] =	vst v0;
	v50 =	vsel vm13, $0x3F800000, v60;
	v1 =	vsel vm12, v39, v1  }
0x15e: {  	v51 =	vadd.f32 $1.000000000e+00, v30;
	[tilespmem:s13+$0x13A50] =	vst v36;
	v3 =	vmul.f32 v50, v48;
	v5 =	vsub.f32 $3.141592740e+00, v1  }
0x15f: {  	vm15 =	vlt.f32 v34, $0.0e+00;
	vm14 =	vlt.f32 v43, $0.0e+00;
	[tilespmem:s13+$0x14420] =	vst v2;
	v0 =	vmul.f32 v50, v49  }
0x160: {  	v58 =	vmul.f32 v6, v51;
	v10 =	vmul.f32 v50, v46;
	[tilespmem:s13+$0xF5B0] =	vst v3;
	v1 =	vsel vm14, v5, v1  }
0x161: {  	v53 =	vsel vm9, $0x3FC90FDB, v60;
	v55 =	vmul.f32 v7, v50;
	[tilespmem:s14+$0xFF80] =	vst v0;
	v52 =	vsub.f32 $0.0e+00, v1  }
0x162: {  	s10 =	sadd.s32 $0x4, s10;
	v62 =	vmax.f32 v41, v58;
	v57 =	vmul.f32 v8, v50;
	[tilespmem:s13+$0x10950] =	vst v10;
	v5 =	vsel vm10, $0x40490FDB, v53  }
0x163: {  	p0 =	slt.u32 s10, $0x98;
	v59 =	vmul.f32 v9, v50;
	[tilespmem:s13+$0x11320] =	vst v55;
	v54 =	vsel vm11, $0x4096CBE4, v5;
	v1 =	vsel vm15, v52, v1  }
.Ltmp0:
0x164: {  	[tilespmem:s13+$0x11CF0] =	vst v57;
	v56 =	vadd.f32 v1, v54;
	v61 =	vpop (erf);
	v1 =	vmul.f32 v50, v62;
	(pc) =	sbr.rel @p0 .LBB2_2-.Ltmp0, $4  }
0x165: {  	[tilespmem:s13+$0x126C0] =	vst v59;
	v63 =	vmul.f32 v61, v50  }
0x166: {  	v0 =	vmul.f32 v56, v50;
	[tilespmem:s13+$0x14430] =	vst v1  }
0x167: {  	[tilespmem:s13+$0x13A60] =	vst v63  }
0x168: {  	s12 =	sadd.s32 $0x100, s12;
	s11 =	sadd.s32 $0x40, s11;
	[tilespmem:s13+$0x13090] =	vst v0  }
0x169: {  	v0 =	vld [tilespmem:$0x9C0]  }
0x16a: {  	v1 =	vld [tilespmem:$0x1390]  }
0x16b: {  	v2 =	vld [tilespmem:$0x1D60]  }
0x16c: {  	v3 =	vld [tilespmem:$0x2730]  }
0x16d: {  	v4 =	vld [tilespmem:$0x3100]  }
0x16e: {  	v5 =	vld [tilespmem:$0x6BE0]  }
0x16f: {  	v6 =	vld [tilespmem:$0x75B0]  }
0x170: {  	v7 =	vld [tilespmem:$0x7F80]  }
0x171: {  	v8 =	vld [tilespmem:$0x8950]  }
0x172: {  	v9 =	vld [tilespmem:$0x9320]  }
0x173: {  	v10 =	vld [tilespmem:$0x9CF0]  }
0x174: {  	v13 =	vld [tilespmem:$0xD7D0]  }
0x175: {  	v16 =	vld [tilespmem:$0xE1A0]  }
0x176: {  	v11 =	vld [tilespmem:$0xA6C0]  }
0x177: {  	v12 =	vld [tilespmem:$0xB090];
	v0 =	vmax.f32 v0, $0.0e+00  }
0x178: {  	v18 =	vld [tilespmem:$0xEB70];
	v1 =	vmax.f32 v1, $0.0e+00;
	v2 =	vmax.f32 v2, $0.0e+00;
	v3 =	vmax.f32 v3, $0.0e+00  }
0x179: {  	v17 =	vld [tilespmem:$0xBA60];
	v4 =	vmax.f32 v4, $0.0e+00;
	v5 =	vmin.f32 v5, $4.000000000e+00;
	v6 =	vmin.f32 v6, $4.000000000e+00  }
0x17a: {  	v56 =	vld [tilespmem:$0xF540];
	vm0 =	vgt.f32 v16, v13;
	v14 =	vadd.f32 v1, v0;
	v15 =	vadd.f32 v3, v2  }
0x17b: {  	v19 =	vld [tilespmem:$0xC430];
	v7 =	vmin.f32 v7, $4.000000000e+00;
	v55 =	vadd.f32 $5.000000000e+00, v4;
	v5 =	vmax.f32 v5, $-4.000000000e+00  }
0x17c: {  	v20 =	vld [tilespmem:$0xCE00];
	v57 =	vmax.f32 v6, $-4.000000000e+00;
	v58 =	vsel vm0, v16, v13;
	v14 =	vadd.f32 v15, v14  }
0x17d: {  	v8 =	vsel vm0, v10, v8;
	v9 =	vsel vm0, v11, v9;
	vm1 =	vgt.f32 v18, v58  }
0x17e: {  	v7 =	vmax.f32 v7, $-4.000000000e+00;
	v6 =	vsel vm1, v18, v58;
	v14 =	vadd.f32 v55, v14  }
0x17f: {  	v5 =	vmul.f32 $1.442695020e+00, v5;
	v8 =	vsel vm1, v12, v8;
	vm2 =	vgt.f32 v56, v6  }
0x180: {  	v9 =	vsel vm1, v17, v9;
	v8 =	vsel vm2, v19, v8;
	(erf) = vrcp.f32 v14  }
0x181: {  	v9 =	vsel vm2, v20, v9;
	(erf) = vpow2.f32 v5;
	v5 =	vmul.f32 $1.442695020e+00, v57  }
0x182: {  	v7 =	vmul.f32 $1.442695020e+00, v7;
	v59 =	vand.u32 $0x7FFFFFFF, v9;
	v61 =	vand.u32 $0x7FFFFFFF, v8  }
0x183: {  	v62 =	vmax.f32 v59, v61;
	(erf) = vpow2.f32 v5  }
0x184: {  	v5 =	vmax.f32 v62, $1.000000000e-30;
	(erf) = vpow2.f32 v7  }
0x185: {  	(erf) = vrcp.f32 v5;
	_ =	sdelay $0x4  }
0x186: {  	v63 =	vpop (erf)  }
0x187: {  	v24 =	vpop (erf)  }
0x188: {  	v25 =	vpop (erf)  }
0x189: {  	v26 =	vpop (erf)  }
0x18a: {  	v27 =	vmin.f32 v59, v61;
	v28 =	vpop (erf)  }
0x18b: {  	v17 =	vmul.f32 v28, v27;
	_ =	sdelay $0x1  }
0x18c: {  	v19 =	vadd.f32 $1.000000000e+00, v17;
	_ =	sdelay $0x1  }
0x18d: {  	(erf) = vrcp.f32 v19;
	_ =	sdelay $0x7  }
0x18e: {  	v29 =	vadd.f32 $-1.000000000e+00, v17  }
0x18f: {  	v30 =	vpop (erf)  }
0x190: {  	v19 =	vmul.f32 v30, v29  }
0x191: {  	vm3 =	vgt.f32 v17, $4.142135680e-01  }
0x192: {  	v17 =	vsel vm3, v19, v17  }
0x193: {  	v6 =	vsel vm2, v56, v6;
	v19 =	vmul.f32 v17, v17  }
0x194: {  	v13 =	vsub.f32 v13, v6  }
0x195: {  	v16 =	vsub.f32 v16, v6;
	v31 =	vmul.f32 $8.053744580e-02, v19  }
0x196: {  	v18 =	vsub.f32 v18, v6;
	v13 =	vmul.f32 $1.442695020e+00, v13  }
0x197: {  	v16 =	vmul.f32 $1.442695020e+00, v16;
	v20 =	vadd.f32 $-1.387768540e-01, v31  }
0x198: {  	v32 =	vmul.f32 $1.442695020e+00, v18;
	(erf) = vpow2.f32 v13  }
0x199: {  	v6 =	vsub.f32 v56, v6;
	(erf) = vpow2.f32 v16;
	v20 =	vmul.f32 v20, v19;
	_ =	sdelay $0x1  }
0x19a: {  	v6 =	vmul.f32 $1.442695020e+00, v6;
	(erf) = vpow2.f32 v32;
	v20 =	vadd.f32 $1.997771110e-01, v20;
	_ =	sdelay $0x1  }
0x19b: {  	(erf) = vpow2.f32 v6;
	v33 =	vmul.f32 v20, v19;
	_ =	sdelay $0x1  }
0x19c: {  	v34 =	vadd.f32 $-3.333294990e-01, v33;
	_ =	sdelay $0x1  }
0x19d: {  	v36 =	vpop (erf);
	v35 =	vmul.f32 v34, v19  }
0x19e: {  	v37 =	vpop (erf)  }
0x19f: {  	v13 =	vadd.f32 v37, v36;
	v6 =	vmul.f32 v35, v17  }
0x1a0: {  	v38 =	vld [tilespmem:$0x4E70];
	v1 =	vmax.f32 v1, v2;
	v41 =	vmax.f32 v3, v4;
	v39 =	vpop (erf)  }
0x1a1: {  	v40 =	vld [tilespmem:$0x5840];
	v1 =	vmax.f32 v1, v41;
	v44 =	vadd.f32 v13, v39;
	v6 =	vadd.f32 v6, v17  }
0x1a2: {  	v43 =	vld [tilespmem:$0x3AD0];
	v1 =	vadd.f32 $1.000000000e+00, v1;
	v46 =	vpop (erf)  }
0x1a3: {  	v45 =	vld [tilespmem:$0x44A0];
	v2 =	vadd.f32 v44, v46;
	v42 =	vadd.f32 $7.853981850e-01, v6  }
0x1a4: {  	v49 =	vld [tilespmem:$0x6210]  }
0x1a5: {  	v1 =	vmul.f32 v63, v1;
	(erf) = vrcp.f32 v2;
	v3 =	vsel vm3, v42, v6  }
0x1a6: {  	v48 =	vmul.f32 $8.000000110e-01, v38;
	v50 =	vmul.f32 $8.000000110e-01, v40;
	v47 =	vsub.f32 $1.570796370e+00, v3  }
0x1a7: {  	v0 =	vadd.f32 $1.000000000e+00, v0;
	vm13 =	vgt.f32 v61, v59;
	vm14 =	vgt.f32 v1, $5.000000000e-01  }
0x1a8: {  	v51 =	vadd.f32 v48, v43;
	v54 =	vsel vm14, $0x3F800000, v60;
	v3 =	vsel vm13, v47, v3  }
0x1a9: {  	v53 =	vadd.f32 v50, v45;
	v10 =	vmul.f32 v54, v49;
	v52 =	vsub.f32 $3.141592740e+00, v3  }
0x1aa: {  	v55 =	vsel vm0, $0x3FC90FDB, v60;
	vm4 =	vlt.f32 v9, $0.0e+00;
	v59 =	vmul.f32 v24, v54  }
0x1ab: {  	v0 =	vmul.f32 v63, v0;
	v60 =	vmul.f32 v25, v54;
	[tilespmem:$0x112E0] =	vst v10;
	v3 =	vsel vm4, v52, v3  }
0x1ac: {  	vm15 =	vlt.f32 v8, $0.0e+00;
	v61 =	vmul.f32 v26, v54;
	[tilespmem:$0x11CB0] =	vst v59;
	v4 =	vsub.f32 $0.0e+00, v3  }
0x1ad: {  	v56 =	vsel vm1, $0x40490FDB, v55;
	v0 =	vmax.f32 v1, v0;
	[tilespmem:$0x12680] =	vst v60;
	v2 =	vmul.f32 v54, v51  }
0x1ae: {  	v58 =	vsel vm2, $0x4096CBE4, v56;
	v0 =	vmul.f32 v54, v0;
	[tilespmem:$0x13050] =	vst v61;
	v62 =	vpop (erf);
	v57 =	vsel vm15, v4, v3  }
0x1af: {  	[tilespmem:$0xFF40] =	vst v2;
	v63 =	vmul.f32 v62, v54;
	v2 =	vadd.f32 v57, v58  }
0x1b0: {  	[tilespmem:$0x14DC0] =	vst v0;
	v6 =	vmul.f32 v54, v53  }
0x1b1: {  	[tilespmem:$0x143F0] =	vst v63;
	v2 =	vmul.f32 v2, v54  }
0x1b2: {  	[tilespmem:$0x10910] =	vst v6  }
0x1b3: {  	s10 =	simm.s32 $0xF580;
	[tilespmem:$0x13A20] =	vst v2  }
0x1b4: {  	[hbm4b:s17+s2] =	stream.linear.scatter [tilespmem:s10], [sflag:$0x1], $0x9D0, $0x38;
	[tilespmem:$0x14E00] =	vst v63  }
0x1b5: {  	s13 =	simm.s32 $0xFF50  }
0x1b6: {  	[hbm4b:s18+s2] =	stream.linear.scatter [tilespmem:s13], [sflag:$0x1], $0x9D0, $0x38;
	[tilespmem:$0x14E00] =	vst v63  }
0x1b7: {  	s14 =	simm.s32 $0x10920  }
0x1b8: {  	[hbm4b:s19+s2] =	stream.linear.scatter [tilespmem:s14], [sflag:$0x1], $0x9D0, $0x38;
	[tilespmem:$0x14E00] =	vst v63  }
0x1b9: {  	s16 =	simm.s32 $0x112F0  }
0x1ba: {  	[hbm4b:s20+s2] =	stream.linear.scatter [tilespmem:s16], [sflag:$0x1], $0x9D0, $0x38;
	[tilespmem:$0x14E00] =	vst v63  }
0x1bb: {  	s11 =	simm.s32 $0x11CC0  }
0x1bc: {  	[hbm4b:s21+s2] =	stream.linear.scatter [tilespmem:s11], [sflag:$0x1], $0x9D0, $0x38;
	[tilespmem:$0x14E00] =	vst v63  }
0x1bd: {  	s12 =	simm.s32 $0x12690  }
0x1be: {  	[hbm4b:s22+s2] =	stream.linear.scatter [tilespmem:s12], [sflag:$0x1], $0x9D0, $0x38;
	[tilespmem:$0x14E00] =	vst v63  }
0x1bf: {  	s13 =	simm.s32 $0x13060  }
0x1c0: {  	[hbm4b:s5+s2] =	stream.linear.scatter [tilespmem:s13], [sflag:$0x1], $0x9D0, $0x38;
	[tilespmem:$0x14E00] =	vst v63  }
0x1c1: {  	s14 =	simm.s32 $0x13A30  }
0x1c2: {  	[hbm4b:s6+s2] =	stream.linear.scatter [tilespmem:s14], [sflag:$0x1], $0x9D0, $0x38;
	[tilespmem:$0x14E00] =	vst v63  }
0x1c3: {  	s16 =	simm.s32 $0x14400  }
0x1c4: {  	[hbm4b:s7+s2] =	stream.linear.scatter [tilespmem:s16], [sflag:$0x1], $0x9D0, $0x38;
	[tilespmem:$0x14E00] =	vst v63  }
0x1c5: {  	_ =	swait.ge [sflag:s8], $0x9D0  }
0x1c6: {  	[sflag:s8] =	ssyncset.done $0x0  }
0x1c7: {  	[sflag:s8] =	ssyncadd.s32 $0xFFFFF630  }
0x1c8: {  	_ =	swait.ge [sflag:s8], $0x9D0  }
0x1c9: {  	[sflag:s8] =	ssyncset.done $0x0  }
0x1ca: {  	[sflag:s8] =	ssyncadd.s32 $0xFFFFF630  }
0x1cb: {  	_ =	swait.ge [sflag:s8], $0x9D0  }
0x1cc: {  	[sflag:s8] =	ssyncset.done $0x0  }
0x1cd: {  	[sflag:s8] =	ssyncadd.s32 $0xFFFFF630  }
0x1ce: {  	_ =	swait.ge [sflag:s8], $0x9D0  }
0x1cf: {  	[sflag:s8] =	ssyncset.done $0x0  }
0x1d0: {  	[sflag:s8] =	ssyncadd.s32 $0xFFFFF630  }
0x1d1: {  	_ =	swait.ge [sflag:s8], $0x9D0  }
0x1d2: {  	[sflag:s8] =	ssyncset.done $0x0  }
0x1d3: {  	[sflag:s8] =	ssyncadd.s32 $0xFFFFF630  }
0x1d4: {  	_ =	swait.ge [sflag:s8], $0x9D0  }
0x1d5: {  	[sflag:s8] =	ssyncset.done $0x0  }
0x1d6: {  	[sflag:s8] =	ssyncadd.s32 $0xFFFFF630  }
0x1d7: {  	_ =	swait.ge [sflag:s8], $0x9D0  }
0x1d8: {  	[sflag:s8] =	ssyncset.done $0x0  }
0x1d9: {  	s9 =	sadd.s32 $0x1, s9;
	[sflag:s8] =	ssyncadd.s32 $0xFFFFF630  }
0x1da: {  	p0 =	sne.s32 s9, s28;
	_ =	swait.ge [sflag:s8], $0x9D0  }
.Ltmp1:
0x1db: {  	[sflag:s8] =	ssyncset.done $0x0;
	(pc) =	sbr.rel @p0 .LBB2_1-.Ltmp1, $4  }
0x1dc: {  	[sflag:s8] =	ssyncadd.s32 $0xFFFFF630  }
0x1dd: {  	_ =	swait.ge [sflag:s8], $0x9D0  }
0x1de: {  	[sflag:s8] =	ssyncset.done $0x0  }
0x1df: {  	[sflag:s8] =	ssyncadd.s32 $0xFFFFF630  }
0x1e0: {  	_ =	sfence.sel $0x180000  }
0x1e1: {  	[bflag:$0x0] =	sbarrier.arrive $0xFFFF  }
0x1e2: {  	_ =	strace $0x90000047  }
0x1e3: {  	s0 =	stileid.u32;
	[bflag:$0x2] =	sbarrier.arrive $0xFFFF  }
0x1e4: {  	p0 =	sne.s32 s0, $0x0;
	s0 =	rddreg [dreg:$0x2]  }
0x1e5: {  	s0 =	sadd.s32 @!p0 $0x100000, s0  }
0x1e6: {  	[sflag:s0] =	ssyncadd.tile.s32 @!p0 $0x1;
	_ =	shalt  }
.Lfunc_end2:
_tile_overlayer_lowered:
.L_overlay_start_2:
0x1e7: {  	(tag) =	ssettag $0x2  }
0x1e8: {  	s0 =	rddreg [dreg:$0x0];
	s2 =	stileid.u32  }
0x1e9: {  	s1 =	rddreg [dreg:$0x1];
	p0 =	sne.s32 s2, $0x0  }
0x1ea: {  	s3 =	rddreg [dreg:$0x2];
	[bflag:$0x3] =	sbarrier.arrive $0xFFFF;
	s2 =	simm.s32 @!p0 $0x1C02  }
0x1eb: {  	[timem:s3], [sflag:s2] =	dma.local @!p0 [hbm:s0], s1  }
0x1ec: {  	s0 =	simm.s32 @!p0 $0x2  }
0x1ed: {  	_ =	swait.ge @!p0 [sflag:s0], s1  }
0x1ee: {  	s1 =	ssub.s32 @!p0 $0x0, s1;
	[sflag:s0] =	ssyncset.done @!p0 $0x0  }
0x1ef: {  	[sflag:s0] =	ssyncadd.s32 @!p0 s1  }
0x1f0: {  	[bflag:$0x3] =	sbarrier.arrive $0xFFFF  }
0x1f1: {  	_ =	shalt  }

</sc_bundles>
